<compile_context>
chip_gen: v7x
topology: tpu7x:2x2x1
jax: 0.10.2.dev20260603
libtpu: 0.0.44.dev20260713+nightly
codegen_flags: <defaults>
</compile_context>

<pallas_src>
import jax
import jax.numpy as jnp
from jax import lax
from jax.experimental import pallas as pl
from jax.experimental.pallas import tpu as pltpu
from jax.experimental.pallas import tpu_sc as plsc

B, T, D = 1, 2048, 1024
E, K = 8, 2
INTER = 512
LIMIT = 10.0

NT = 8
TBLK = T // NT
AK = T * K
BLK = 128
CAP = AK + E * BLK
NBLK = CAP // BLK
CAPB = 48
NC, NS, L = 2, 16, 16
NW = NC * NS
RPW = CAP // NW
RCH = RPW // 2
DW = D // 2
TRASH = AK

_SC_MESH = plsc.VectorSubcoreMesh(
    core_axis_name="c", subcore_axis_name="s", num_cores=NC, num_subcores=NS)
_SC_PARAMS = pltpu.CompilerParams(needs_layout_passes=False)


def _pack_rows(o):
    lo = lax.bitcast_convert_type(o[:, :DW].astype(jnp.bfloat16), jnp.uint16)
    hi = lax.bitcast_convert_type(o[:, DW:].astype(jnp.bfloat16), jnp.uint16)
    word = (hi.astype(jnp.uint32) << 16) | lo.astype(jnp.uint32)
    return lax.bitcast_convert_type(word, jnp.int32)


def _unpack_rows(w):
    wu = lax.bitcast_convert_type(w, jnp.uint32)
    lo = lax.bitcast_convert_type(wu << 16, jnp.float32)
    hi = lax.bitcast_convert_type(wu & jnp.uint32(0xFFFF0000), jnp.float32)
    return jnp.concatenate([lo, hi], axis=1)


def _route_body(flat_ref, gate_ref, eid_ref, w_ref, hist_ref, xw_ref):
    t = pl.program_id(0)
    xb = flat_ref[...]
    s = jnp.dot(xb, gate_ref[...], preferred_element_type=jnp.float32)
    scores = jnp.sqrt(jax.nn.softplus(s))
    iota = lax.broadcasted_iota(jnp.int32, (TBLK, E), 1)
    m1 = jnp.max(scores, axis=1, keepdims=True)
    idx1 = jnp.min(jnp.where(scores == m1, iota, E), axis=1, keepdims=True)
    mask1 = iota == idx1
    scores2 = jnp.where(mask1, -jnp.inf, scores)
    m2 = jnp.max(scores2, axis=1, keepdims=True)
    idx2 = jnp.min(jnp.where(scores2 == m2, iota, E), axis=1, keepdims=True)
    mask2 = iota == idx2
    denom = jnp.maximum(m1 + m2, 1e-6)
    eid_ref[...] = jnp.concatenate([idx1, idx2], axis=1)
    w_ref[...] = jnp.concatenate([m1 / denom, m2 / denom], axis=1)

    cnt = (jnp.sum(mask1.astype(jnp.int32), axis=0, keepdims=True)
           + jnp.sum(mask2.astype(jnp.int32), axis=0, keepdims=True))
    cnt16 = jnp.concatenate([cnt, jnp.zeros((1, E), jnp.int32)], axis=1)

    @pl.when(t == 0)
    def _():
        hist_ref[...] = cnt16

    @pl.when(t != 0)
    def _():
        hist_ref[...] += cnt16

    xw_ref[...] = _pack_rows(xb)


def _route(flat, gate_w):
    return pl.pallas_call(
        _route_body,
        grid=(NT,),
        in_specs=[
            pl.BlockSpec((TBLK, D), lambda t: (t, 0)),
            pl.BlockSpec((D, E), lambda t: (0, 0)),
        ],
        out_specs=[
            pl.BlockSpec((TBLK, K), lambda t: (t, 0)),
            pl.BlockSpec((TBLK, K), lambda t: (t, 0)),
            pl.BlockSpec((1, 2 * E), lambda t: (0, 0)),
            pl.BlockSpec((TBLK, DW), lambda t: (t, 0)),
        ],
        out_shape=[
            jax.ShapeDtypeStruct((T, K), jnp.int32),
            jax.ShapeDtypeStruct((T, K), jnp.float32),
            jax.ShapeDtypeStruct((1, 2 * E), jnp.int32),
            jax.ShapeDtypeStruct((T, DW), jnp.int32),
        ],
    )(flat, gate_w)


def _shared_body(x_ref, s1_ref, s2_ref, s3_ref, y_ref):
    xb = x_ref[...]
    g = jnp.dot(xb, s1_ref[...], preferred_element_type=jnp.float32)
    u = jnp.dot(xb, s3_ref[...], preferred_element_type=jnp.float32)
    g = jnp.minimum(g, LIMIT)
    u = jnp.clip(u, -LIMIT, LIMIT)
    h = (g * jax.nn.sigmoid(g)) * u
    y_ref[...] = jnp.dot(h, s2_ref[...], preferred_element_type=jnp.float32)


def _shared(flat, sw1, sw2, sw3):
    return pl.pallas_call(
        _shared_body,
        grid=(NT,),
        in_specs=[
            pl.BlockSpec((TBLK, D), lambda t: (t, 0)),
            pl.BlockSpec((D, INTER), lambda t: (0, 0)),
            pl.BlockSpec((INTER, D), lambda t: (0, 0)),
            pl.BlockSpec((D, INTER), lambda t: (0, 0)),
        ],
        out_specs=pl.BlockSpec((TBLK, D), lambda t: (t, 0)),
        out_shape=jax.ShapeDtypeStruct((T, D), jnp.float32),
    )(flat, sw1, sw2, sw3)


def _sort_body(eid_hbm, w_hbm, hist_hbm, perm_hbm, dst_hbm, wsort_hbm, bexp_hbm,
               nused_hbm, eid_v, w_v, hist_v, base_v, perm_v, dst_v, wsort_v,
               bexp_v, nused_v):
    cid = lax.axis_index("c")
    sid = lax.axis_index("s")

    @pl.when((cid == 0) & (sid == 0))
    def _():
        pltpu.sync_copy(eid_hbm, eid_v)
        pltpu.sync_copy(w_hbm, w_v)
        pltpu.sync_copy(hist_hbm, hist_v)

        lane = lax.iota(jnp.int32, L)
        cnt = hist_v[...]
        nb = (cnt + (BLK - 1)) >> 7
        csum = plsc.cumsum(nb)
        base0 = (csum - nb) * BLK
        base_v[...] = base0

        for i in range(CAPB // L):
            b_ids = i * L + lane
            acc = jnp.zeros((L,), jnp.int32)
            for e in range(E):
                pe = jnp.max(jnp.where(lane == e, csum, -1))
                acc = acc + jnp.where(b_ids >= pe, 1, 0)
            bexp_v[pl.ds(i * L, L)] = jnp.minimum(acc, E - 1)

        nused_v[...] = jnp.broadcast_to(jnp.max(csum), (L,))

        def init_body(i, c):
            a = i * L + lane
            perm_v[pl.ds(i * L, L)] = a & (T - 1)
            dst_v[pl.ds(i * L, L)] = TRASH + (a & (E * BLK - 1))
            wsort_v[pl.ds(i * L, L)] = jnp.zeros((L,), jnp.float32)
            return c

        lax.fori_loop(0, CAP // L, init_body, 0)

        def s_body(i, c):
            a0 = i * L
            ev = eid_v[pl.ds(a0, L)]
            wv = w_v[pl.ds(a0, L)]
            ev_s, lane_s = plsc.sort_key_val(ev, lane)
            prev = ev_s.at[jnp.maximum(lane - 1, 0)].get(mode="promise_in_bounds")
            st = jnp.where((lane == 0) | (ev_s != prev), lane, 0)
            rank = lane - plsc.cummax(st)
            pos = plsc.load_gather(base_v, [ev_s]) + rank
            aid_s = a0 + lane_s
            tok_s = lax.shift_right_logical(aid_s, 1)
            w_s = wv.at[lane_s].get(mode="promise_in_bounds")
            plsc.store_scatter(perm_v, [pos], tok_s)
            plsc.store_scatter(dst_v, [pos], (aid_s & 1) * T + tok_s)
            plsc.store_scatter(wsort_v, [pos], w_s)
            nxt = ev_s.at[jnp.minimum(lane + 1, L - 1)].get(mode="promise_in_bounds")
            en = (lane == L - 1) | (ev_s != nxt)
            plsc.store_scatter(base_v, [ev_s], pos + 1, mask=en)
            return c

        lax.fori_loop(0, AK // L, s_body, 0)

        pltpu.sync_copy(perm_v, perm_hbm)
        pltpu.sync_copy(dst_v, dst_hbm)
        pltpu.sync_copy(wsort_v, wsort_hbm)
        pltpu.sync_copy(bexp_v, bexp_hbm)
        pltpu.sync_copy(nused_v, nused_hbm)


_sort = pl.kernel(
    _sort_body,
    out_type=(
        jax.ShapeDtypeStruct((CAP,), jnp.int32),
        jax.ShapeDtypeStruct((CAP,), jnp.int32),
        jax.ShapeDtypeStruct((CAP,), jnp.float32),
        jax.ShapeDtypeStruct((CAPB,), jnp.int32),
        jax.ShapeDtypeStruct((L,), jnp.int32),
    ),
    mesh=_SC_MESH,
    compiler_params=_SC_PARAMS,
    scratch_types=[
        pltpu.VMEM((AK,), jnp.int32),
        pltpu.VMEM((AK,), jnp.float32),
        pltpu.VMEM((L,), jnp.int32),
        pltpu.VMEM((L,), jnp.int32),
        pltpu.VMEM((CAP,), jnp.int32),
        pltpu.VMEM((CAP,), jnp.int32),
        pltpu.VMEM((CAP,), jnp.float32),
        pltpu.VMEM((CAPB,), jnp.int32),
        pltpu.VMEM((L,), jnp.int32),
    ],
)


def _gather_body(flat_hbm, perm_hbm, out_hbm, idx_v, rows_v, sem):
    wid = lax.axis_index("s") * NC + lax.axis_index("c")
    base = wid * RPW
    pltpu.sync_copy(perm_hbm.at[pl.ds(base, RPW)], idx_v)
    pltpu.async_copy(flat_hbm.at[idx_v], rows_v, sem).wait()
    pltpu.sync_copy(rows_v, out_hbm.at[pl.ds(base, RPW)])


_gather = pl.kernel(
    _gather_body,
    out_type=jax.ShapeDtypeStruct((CAP, DW), jnp.int32),
    mesh=_SC_MESH,
    compiler_params=_SC_PARAMS,
    scratch_types=[
        pltpu.VMEM((RPW,), jnp.int32),
        pltpu.VMEM((RPW, DW), jnp.int32),
        pltpu.SemaphoreType.DMA,
    ],
)


def _ffn_body(nu_ref, bexp_ref, x_ref, w1_ref, w3_ref, w2_ref, ws_ref, out_ref):
    @pl.when(pl.program_id(0) < nu_ref[0])
    def _():
        xb = _unpack_rows(x_ref[...])
        g = jnp.dot(xb, w1_ref[0], preferred_element_type=jnp.float32)
        u = jnp.dot(xb, w3_ref[0], preferred_element_type=jnp.float32)
        g = jnp.minimum(g, LIMIT)
        u = jnp.clip(u, -LIMIT, LIMIT)
        h = (g * jax.nn.sigmoid(g)) * u
        o = ws_ref[...] * jnp.dot(h, w2_ref[0], preferred_element_type=jnp.float32)
        out_ref[...] = _pack_rows(o)


def _ffn(nused, bexp, gathered, W1b, W3b, W2b, wsort2):
    grid_spec = pltpu.PrefetchScalarGridSpec(
        num_scalar_prefetch=2,
        grid=(NBLK,),
        in_specs=[
            pl.BlockSpec((BLK, DW), lambda b, nu, be: (b, 0)),
            pl.BlockSpec((1, D, INTER), lambda b, nu, be: (be[b], 0, 0)),
            pl.BlockSpec((1, D, INTER), lambda b, nu, be: (be[b], 0, 0)),
            pl.BlockSpec((1, INTER, D), lambda b, nu, be: (be[b], 0, 0)),
            pl.BlockSpec((BLK, 1), lambda b, nu, be: (b, 0)),
        ],
        out_specs=pl.BlockSpec((BLK, DW), lambda b, nu, be: (b, 0)),
    )
    return pl.pallas_call(
        _ffn_body,
        grid_spec=grid_spec,
        out_shape=jax.ShapeDtypeStruct((CAP, DW), jnp.int32),
    )(nused, bexp, gathered, W1b, W3b, W2b, wsort2)


def _scatter_body(rs_hbm, dst_hbm, out_hbm, idx_v, rows_v, sem):
    wid = lax.axis_index("s") * NC + lax.axis_index("c")
    base = wid * RPW
    pltpu.sync_copy(dst_hbm.at[pl.ds(base, RPW)], idx_v)
    pltpu.sync_copy(rs_hbm.at[pl.ds(base, RPW)], rows_v)
    pltpu.async_copy(rows_v, out_hbm.at[idx_v], sem).wait()


_scatter = pl.kernel(
    _scatter_body,
    out_type=jax.ShapeDtypeStruct((AK + E * BLK, DW), jnp.int32),
    mesh=_SC_MESH,
    compiler_params=_SC_PARAMS,
    scratch_types=[
        pltpu.VMEM((RPW,), jnp.int32),
        pltpu.VMEM((RPW, DW), jnp.int32),
        pltpu.SemaphoreType.DMA,
    ],
)


def _combine_body(y_ref, a_ref, b_ref, out_ref):
    out_ref[...] = (y_ref[...] + _unpack_rows(a_ref[...])
                    + _unpack_rows(b_ref[...]))


def _combine(shared_y, slotbuf):
    return pl.pallas_call(
        _combine_body,
        grid=(NT,),
        in_specs=[
            pl.BlockSpec((TBLK, D), lambda t: (t, 0)),
            pl.BlockSpec((TBLK, DW), lambda t: (t, 0)),
            pl.BlockSpec((TBLK, DW), lambda t: (t + NT, 0)),
        ],
        out_specs=pl.BlockSpec((TBLK, D), lambda t: (t, 0)),
        out_shape=jax.ShapeDtypeStruct((T, D), jnp.float32),
    )(shared_y, slotbuf, slotbuf)


@jax.jit
def _moe(flat, gate_w, W1, W2, W3, sw1, sw2, sw3):
    eid2, w2sc, hist, flat_w = _route(flat, gate_w)
    perm, dst, wsort, bexp, nused = _sort(
        eid2.reshape(AK), w2sc.reshape(AK), hist.reshape(2 * E))
    gathered = _gather(flat_w, perm)
    shared_y = _shared(flat, sw1, sw2, sw3)
    routed_sorted = _ffn(nused, bexp, gathered, W1, W3, W2,
                         wsort.reshape(CAP, 1))
    slotbuf = _scatter(routed_sorted, dst)
    return _combine(shared_y, slotbuf)


def kernel(x, input_ids, gate_w, W1, W2, W3, sw1, sw2, sw3):
    del input_ids
    flat = x.reshape(-1, D)
    out = _moe(flat, gate_w, W1, W2, W3, sw1, sw2, sw3)
    return out.reshape(x.shape)

# --- scband reference (transcript-rebuilt; emitter-appended) ---
"""Pipeline reference for scband-deep-seek-mo-e-34840774705582 (READ-ONLY COPY).

The authoritative reference and input builder live on the scoring server;
editing this copy changes nothing except your own understanding.
"""

import jax, jax.numpy as jnp
import numpy as np

B, T, D = 1, 2048, 1024
E, K = 8, 2
INTER = 512
VOCAB = 32768
LIMIT = 10.0


def setup_inputs(seed: int = 0) -> dict:
    key = jax.random.key(seed)
    ks = jax.random.split(key, 10)
    inp = {}
    inp["x"] = jax.random.normal(ks[0], (B, T, D), dtype=jnp.float32)
    inp["input_ids"] = jax.random.randint(ks[1], (B, T), 0, VOCAB, dtype=jnp.int64) if jax.config.jax_enable_x64 else jax.random.randint(ks[1], (B, T), 0, VOCAB, dtype=jnp.int32)
    inp["gate_w"] = jax.random.normal(ks[2], (D, E), dtype=jnp.float32) * 0.02
    inp["W1"] = jax.random.normal(ks[3], (E, D, INTER), dtype=jnp.float32) * 0.02
    inp["W2"] = jax.random.normal(ks[4], (E, INTER, D), dtype=jnp.float32) * 0.02
    inp["W3"] = jax.random.normal(ks[5], (E, D, INTER), dtype=jnp.float32) * 0.02
    inp["sw1"] = jax.random.normal(ks[6], (D, INTER), dtype=jnp.float32) * 0.02
    inp["sw2"] = jax.random.normal(ks[7], (INTER, D), dtype=jnp.float32) * 0.02
    inp["sw3"] = jax.random.normal(ks[8], (D, INTER), dtype=jnp.float32) * 0.02
    return inp


def _expert(x, w1, w2, w3):
    gate = x @ w1
    up = x @ w3
    gate = jnp.minimum(gate, LIMIT)
    up = jnp.clip(up, -LIMIT, LIMIT)
    return (jax.nn.silu(gate) * up) @ w2


def reference(x, input_ids, gate_w, W1, W2, W3, sw1, sw2, sw3):
    B_, T_, D_ = x.shape
    flat = x.reshape(-1, D_)
    # scoring_func = 'sqrtsoftplus'
    scores = jnp.sqrt(jax.nn.softplus(flat @ gate_w))
    # layer_idx=1 >= n_hash_layers=1 -> learned top-k routing; gate_bias buffer is zeros
    routed_scores = scores
    _, indices = jax.lax.top_k(routed_scores, K)  # [N, K]
    weights = jnp.take_along_axis(scores, indices, axis=1)  # [N, K]
    # norm_topk_prob=True
    weights = weights / jnp.maximum(weights.sum(axis=-1, keepdims=True), 1e-6)
    # routed_scaling_factor = 1.0
    onehot = jax.nn.one_hot(indices, E, dtype=jnp.float32)  # [N, K, E]
    w_te = (weights[..., None] * onehot).sum(axis=1)  # [N, E] combine weight per token/expert
    # shared expert
    y = _expert(flat, sw1, sw2, sw3)
    # routed experts: dense dispatch (mathematically identical to per-expert gather/scatter)
    gate_all = jnp.einsum('nd,edi->eni', flat, W1)
    up_all = jnp.einsum('nd,edi->eni', flat, W3)
    gate_all = jnp.minimum(gate_all, LIMIT)
    up_all = jnp.clip(up_all, -LIMIT, LIMIT)
    h = jax.nn.silu(gate_all) * up_all  # [E, N, INTER]
    outs = jnp.einsum('eni,eid->end', h, W2)  # [E, N, D]
    routed = jnp.einsum('end,ne->nd', outs, w_te)  # weighted scatter-add combine
    return (y + routed).reshape(B_, T_, D_)

if __name__ == "__main__":
    import jax
    _d = setup_inputs()
    print(jax.jit(kernel)(*tuple(_d.values())))

</pallas_src>

<mosaic_0001>
#map = affine_map<(d0, d1) -> (0)>
module attributes {stable_mosaic.version = 14 : i64} {
  func.func @_sort_body(%arg0: i32, %arg1: i32, %arg2: memref<4096xi32, #tpu.memory_space<hbm>>, %arg3: memref<4096xf32, #tpu.memory_space<hbm>>, %arg4: memref<16xi32, #tpu.memory_space<hbm>>, %arg5: memref<5120xi32, #tpu.memory_space<hbm>>, %arg6: memref<5120xi32, #tpu.memory_space<hbm>>, %arg7: memref<5120xf32, #tpu.memory_space<hbm>>, %arg8: memref<48xi32, #tpu.memory_space<hbm>>, %arg9: memref<16xi32, #tpu.memory_space<hbm>>, %arg10: memref<4096xi32, #tpu.memory_space<vmem>>, %arg11: memref<4096xf32, #tpu.memory_space<vmem>>, %arg12: memref<16xi32, #tpu.memory_space<vmem>>, %arg13: memref<16xi32, #tpu.memory_space<vmem>>, %arg14: memref<5120xi32, #tpu.memory_space<vmem>>, %arg15: memref<5120xi32, #tpu.memory_space<vmem>>, %arg16: memref<5120xf32, #tpu.memory_space<vmem>>, %arg17: memref<48xi32, #tpu.memory_space<vmem>>, %arg18: memref<16xi32, #tpu.memory_space<vmem>>) attributes {dimension_semantics = [#tpu.dimension_semantics<core_parallel>, #tpu.dimension_semantics<subcore_parallel>], iteration_bounds = array<i64: 2, 16>, scalar_prefetch = 0 : i64, scratch_operands = 9 : i64, tpu.core_type = #tpu.core_type<sc_vector_subcore>, window_params = [{transform_indices = #map}, {transform_indices = #map}, {transform_indices = #map}, {transform_indices = #map}, {transform_indices = #map}, {transform_indices = #map}, {transform_indices = #map}, {transform_indices = #map}]} {
    %eq3A = arith.constant 0 : i32
    %eq3A_0 = arith.cmpi eq, %arg0, %eq3A : i32
    %eq3A_1 = arith.constant 0 : i32
    %eq3A_2 = arith.cmpi eq, %arg1, %eq3A_1 : i32
    %and3A = arith.andi %eq3A_0, %eq3A_2 : i1
    %convert_element_type3A = arith.extui %and3A : i1 to i32
    %cond3A = arith.constant 0 : i32
    %cond3A_3 = arith.cmpi ne, %convert_element_type3A, %cond3A : i32
    scf.if %cond3A_3 {
      "tpu.region"() ({
        %run_scoped3A = tpu.sem_alloc : memref<!tpu.dma_semaphore, #tpu.memory_space<semaphore_mem>>
        tpu.enqueue_dma source(%arg2 : memref<4096xi32, #tpu.memory_space<hbm>>) target(%arg10 : memref<4096xi32, #tpu.memory_space<vmem>>) target_semaphore(%run_scoped3A : memref<!tpu.dma_semaphore, #tpu.memory_space<semaphore_mem>>)
        tpu.wait_dma2 semaphore(%run_scoped3A : memref<!tpu.dma_semaphore, #tpu.memory_space<semaphore_mem>>) src(%arg2 : memref<4096xi32, #tpu.memory_space<hbm>>) dst(%arg10 : memref<4096xi32, #tpu.memory_space<vmem>>)
        tpu.yield
      }) : () -> ()
      "tpu.region"() ({
        %run_scoped3A = tpu.sem_alloc : memref<!tpu.dma_semaphore, #tpu.memory_space<semaphore_mem>>
        tpu.enqueue_dma source(%arg3 : memref<4096xf32, #tpu.memory_space<hbm>>) target(%arg11 : memref<4096xf32, #tpu.memory_space<vmem>>) target_semaphore(%run_scoped3A : memref<!tpu.dma_semaphore, #tpu.memory_space<semaphore_mem>>)
        tpu.wait_dma2 semaphore(%run_scoped3A : memref<!tpu.dma_semaphore, #tpu.memory_space<semaphore_mem>>) src(%arg3 : memref<4096xf32, #tpu.memory_space<hbm>>) dst(%arg11 : memref<4096xf32, #tpu.memory_space<vmem>>)
        tpu.yield
      }) : () -> ()
      "tpu.region"() ({
        %run_scoped3A = tpu.sem_alloc : memref<!tpu.dma_semaphore, #tpu.memory_space<semaphore_mem>>
        tpu.enqueue_dma source(%arg4 : memref<16xi32, #tpu.memory_space<hbm>>) target(%arg12 : memref<16xi32, #tpu.memory_space<vmem>>) target_semaphore(%run_scoped3A : memref<!tpu.dma_semaphore, #tpu.memory_space<semaphore_mem>>)
        tpu.wait_dma2 semaphore(%run_scoped3A : memref<!tpu.dma_semaphore, #tpu.memory_space<semaphore_mem>>) src(%arg4 : memref<16xi32, #tpu.memory_space<hbm>>) dst(%arg12 : memref<16xi32, #tpu.memory_space<vmem>>)
        tpu.yield
      }) : () -> ()
      %iota3A = tpu.iota {dimensions = array<i32: 0>} : vector<16xi32>
      %get3A = arith.constant 0 : index
      %get3A_4 = tpu.vector_load %arg12[%get3A] {strides = array<i32>} : memref<16xi32, #tpu.memory_space<vmem>>, vector<16xi32>,
      %add3A = arith.constant 127 : i32
      %add3A_5 = vector.broadcast %add3A : i32 to vector<16xi32>
      %add3A_6 = arith.addi %get3A_4, %add3A_5 : vector<16xi32>
      %shift_right_arithmetic3A = arith.constant 7 : i32
      %shift_right_arithmetic3A_7 = vector.broadcast %shift_right_arithmetic3A : i32 to vector<16xi32>
      %shift_right_arithmetic3A_8 = arith.shrsi %add3A_6, %shift_right_arithmetic3A_7 : vector<16xi32>
      %broadcast_in_dim3A = arith.constant true
      %broadcast_in_dim3A_9 = vector.broadcast %broadcast_in_dim3A : i1 to vector<16xi1>
      %masked_cumsum3A = tpu.scan <sum>, %shift_right_arithmetic3A_8 masked %broadcast_in_dim3A_9 : vector<16xi32>, vector<16xi1> -> vector<16xi32>
      %sub3A = arith.subi %masked_cumsum3A, %shift_right_arithmetic3A_8 : vector<16xi32>
      %mul3A = arith.constant 128 : i32
      %mul3A_10 = vector.broadcast %mul3A : i32 to vector<16xi32>
      %mul3A_11 = arith.muli %sub3A, %mul3A_10 : vector<16xi32>
      %swap3A = arith.constant 0 : index
      %swap3A_12 = tpu.vector_load %arg13[%swap3A] {strides = array<i32>} : memref<16xi32, #tpu.memory_space<vmem>>, vector<16xi32>,
      tpu.vector_store %arg13[%swap3A], %mul3A_11 {strides = array<i32>} : memref<16xi32, #tpu.memory_space<vmem>>, vector<16xi32>,
      %add3A_13 = arith.constant 0 : i32
      %add3A_14 = vector.broadcast %add3A_13 : i32 to vector<16xi32>
      %add3A_15 = arith.addi %add3A_14, %iota3A : vector<16xi32>
      %broadcast_in_dim3A_16 = arith.constant 0 : i32
      %broadcast_in_dim3A_17 = vector.broadcast %broadcast_in_dim3A_16 : i32 to vector<16xi32>
      %eq3A_18 = arith.constant 0 : i32
      %eq3A_19 = vector.broadcast %eq3A_18 : i32 to vector<16xi32>
      %eq3A_20 = arith.cmpi eq, %iota3A, %eq3A_19 : vector<16xi32>
      %jit3A = arith.constant -1 : i32
      %broadcast_in_dim3A_21 = vector.broadcast %jit3A : i32 to vector<16xi32>
      %select_n3A = arith.select %eq3A_20, %masked_cumsum3A, %broadcast_in_dim3A_21 : vector<16xi1>, vector<16xi32>
      %reduce_max3A = arith.constant true
      %reduce_max3A_22 = vector.broadcast %reduce_max3A : i1 to vector<16xi1>
      %reduce_max3A_23 = arith.constant -2147483648 : i32
      %reduce_max3A_24 = vector.broadcast %reduce_max3A_23 : i32 to vector<16xi32>
      %reduce_max3A_25 = arith.xori %select_n3A, %reduce_max3A_24 : vector<16xi32>
      %reduce_max3A_26 = tpu.scan <max>, %reduce_max3A_25 masked %reduce_max3A_22 : vector<16xi32>, vector<16xi1> -> vector<16xi32>
      %reduce_max3A_27 = arith.xori %reduce_max3A_26, %reduce_max3A_24 : vector<16xi32>
      %reduce_max3A_28 = vector.extract %reduce_max3A_27[15] : i32 from vector<16xi32>
      %ge3A = vector.broadcast %reduce_max3A_28 : i32 to vector<16xi32>
      %ge3A_29 = arith.cmpi sge, %add3A_15, %ge3A : vector<16xi32>
      %jit3A_30 = arith.constant 1 : i32
      %jit3A_31 = arith.constant 0 : i32
      %broadcast_in_dim3A_32 = vector.broadcast %jit3A_30 : i32 to vector<16xi32>
      %broadcast_in_dim3A_33 = vector.broadcast %jit3A_31 : i32 to vector<16xi32>
      %select_n3A_34 = arith.select %ge3A_29, %broadcast_in_dim3A_32, %broadcast_in_dim3A_33 : vector<16xi1>, vector<16xi32>
      %add3A_35 = arith.addi %broadcast_in_dim3A_17, %select_n3A_34 : vector<16xi32>
      %eq3A_36 = arith.constant 1 : i32
      %eq3A_37 = vector.broadcast %eq3A_36 : i32 to vector<16xi32>
      %eq3A_38 = arith.cmpi eq, %iota3A, %eq3A_37 : vector<16xi32>
      %jit3A_39 = arith.constant -1 : i32
      %broadcast_in_dim3A_40 = vector.broadcast %jit3A_39 : i32 to vector<16xi32>
      %select_n3A_41 = arith.select %eq3A_38, %masked_cumsum3A, %broadcast_in_dim3A_40 : vector<16xi1>, vector<16xi32>
      %reduce_max3A_42 = arith.constant true
      %reduce_max3A_43 = vector.broadcast %reduce_max3A_42 : i1 to vector<16xi1>
      %reduce_max3A_44 = arith.constant -2147483648 : i32
      %reduce_max3A_45 = vector.broadcast %reduce_max3A_44 : i32 to vector<16xi32>
      %reduce_max3A_46 = arith.xori %select_n3A_41, %reduce_max3A_45 : vector<16xi32>
      %reduce_max3A_47 = tpu.scan <max>, %reduce_max3A_46 masked %reduce_max3A_43 : vector<16xi32>, vector<16xi1> -> vector<16xi32>
      %reduce_max3A_48 = arith.xori %reduce_max3A_47, %reduce_max3A_45 : vector<16xi32>
      %reduce_max3A_49 = vector.extract %reduce_max3A_48[15] : i32 from vector<16xi32>
      %ge3A_50 = vector.broadcast %reduce_max3A_49 : i32 to vector<16xi32>
      %ge3A_51 = arith.cmpi sge, %add3A_15, %ge3A_50 : vector<16xi32>
      %jit3A_52 = arith.constant 1 : i32
      %jit3A_53 = arith.constant 0 : i32
      %broadcast_in_dim3A_54 = vector.broadcast %jit3A_52 : i32 to vector<16xi32>
      %broadcast_in_dim3A_55 = vector.broadcast %jit3A_53 : i32 to vector<16xi32>
      %select_n3A_56 = arith.select %ge3A_51, %broadcast_in_dim3A_54, %broadcast_in_dim3A_55 : vector<16xi1>, vector<16xi32>
      %add3A_57 = arith.addi %add3A_35, %select_n3A_56 : vector<16xi32>
      %eq3A_58 = arith.constant 2 : i32
      %eq3A_59 = vector.broadcast %eq3A_58 : i32 to vector<16xi32>
      %eq3A_60 = arith.cmpi eq, %iota3A, %eq3A_59 : vector<16xi32>
      %jit3A_61 = arith.constant -1 : i32
      %broadcast_in_dim3A_62 = vector.broadcast %jit3A_61 : i32 to vector<16xi32>
      %select_n3A_63 = arith.select %eq3A_60, %masked_cumsum3A, %broadcast_in_dim3A_62 : vector<16xi1>, vector<16xi32>
      %reduce_max3A_64 = arith.constant true
      %reduce_max3A_65 = vector.broadcast %reduce_max3A_64 : i1 to vector<16xi1>
      %reduce_max3A_66 = arith.constant -2147483648 : i32
      %reduce_max3A_67 = vector.broadcast %reduce_max3A_66 : i32 to vector<16xi32>
      %reduce_max3A_68 = arith.xori %select_n3A_63, %reduce_max3A_67 : vector<16xi32>
      %reduce_max3A_69 = tpu.scan <max>, %reduce_max3A_68 masked %reduce_max3A_65 : vector<16xi32>, vector<16xi1> -> vector<16xi32>
      %reduce_max3A_70 = arith.xori %reduce_max3A_69, %reduce_max3A_67 : vector<16xi32>
      %reduce_max3A_71 = vector.extract %reduce_max3A_70[15] : i32 from vector<16xi32>
      %ge3A_72 = vector.broadcast %reduce_max3A_71 : i32 to vector<16xi32>
      %ge3A_73 = arith.cmpi sge, %add3A_15, %ge3A_72 : vector<16xi32>
      %jit3A_74 = arith.constant 1 : i32
      %jit3A_75 = arith.constant 0 : i32
      %broadcast_in_dim3A_76 = vector.broadcast %jit3A_74 : i32 to vector<16xi32>
      %broadcast_in_dim3A_77 = vector.broadcast %jit3A_75 : i32 to vector<16xi32>
      %select_n3A_78 = arith.select %ge3A_73, %broadcast_in_dim3A_76, %broadcast_in_dim3A_77 : vector<16xi1>, vector<16xi32>
      %add3A_79 = arith.addi %add3A_57, %select_n3A_78 : vector<16xi32>
      %eq3A_80 = arith.constant 3 : i32
      %eq3A_81 = vector.broadcast %eq3A_80 : i32 to vector<16xi32>
      %eq3A_82 = arith.cmpi eq, %iota3A, %eq3A_81 : vector<16xi32>
      %jit3A_83 = arith.constant -1 : i32
      %broadcast_in_dim3A_84 = vector.broadcast %jit3A_83 : i32 to vector<16xi32>
      %select_n3A_85 = arith.select %eq3A_82, %masked_cumsum3A, %broadcast_in_dim3A_84 : vector<16xi1>, vector<16xi32>
      %reduce_max3A_86 = arith.constant true
      %reduce_max3A_87 = vector.broadcast %reduce_max3A_86 : i1 to vector<16xi1>
      %reduce_max3A_88 = arith.constant -2147483648 : i32
      %reduce_max3A_89 = vector.broadcast %reduce_max3A_88 : i32 to vector<16xi32>
      %reduce_max3A_90 = arith.xori %select_n3A_85, %reduce_max3A_89 : vector<16xi32>
      %reduce_max3A_91 = tpu.scan <max>, %reduce_max3A_90 masked %reduce_max3A_87 : vector<16xi32>, vector<16xi1> -> vector<16xi32>
      %reduce_max3A_92 = arith.xori %reduce_max3A_91, %reduce_max3A_89 : vector<16xi32>
      %reduce_max3A_93 = vector.extract %reduce_max3A_92[15] : i32 from vector<16xi32>
      %ge3A_94 = vector.broadcast %reduce_max3A_93 : i32 to vector<16xi32>
      %ge3A_95 = arith.cmpi sge, %add3A_15, %ge3A_94 : vector<16xi32>
      %jit3A_96 = arith.constant 1 : i32
      %jit3A_97 = arith.constant 0 : i32
      %broadcast_in_dim3A_98 = vector.broadcast %jit3A_96 : i32 to vector<16xi32>
      %broadcast_in_dim3A_99 = vector.broadcast %jit3A_97 : i32 to vector<16xi32>
      %select_n3A_100 = arith.select %ge3A_95, %broadcast_in_dim3A_98, %broadcast_in_dim3A_99 : vector<16xi1>, vector<16xi32>
      %add3A_101 = arith.addi %add3A_79, %select_n3A_100 : vector<16xi32>
      %eq3A_102 = arith.constant 4 : i32
      %eq3A_103 = vector.broadcast %eq3A_102 : i32 to vector<16xi32>
      %eq3A_104 = arith.cmpi eq, %iota3A, %eq3A_103 : vector<16xi32>
      %jit3A_105 = arith.constant -1 : i32
      %broadcast_in_dim3A_106 = vector.broadcast %jit3A_105 : i32 to vector<16xi32>
      %select_n3A_107 = arith.select %eq3A_104, %masked_cumsum3A, %broadcast_in_dim3A_106 : vector<16xi1>, vector<16xi32>
      %reduce_max3A_108 = arith.constant true
      %reduce_max3A_109 = vector.broadcast %reduce_max3A_108 : i1 to vector<16xi1>
      %reduce_max3A_110 = arith.constant -2147483648 : i32
      %reduce_max3A_111 = vector.broadcast %reduce_max3A_110 : i32 to vector<16xi32>
      %reduce_max3A_112 = arith.xori %select_n3A_107, %reduce_max3A_111 : vector<16xi32>
      %reduce_max3A_113 = tpu.scan <max>, %reduce_max3A_112 masked %reduce_max3A_109 : vector<16xi32>, vector<16xi1> -> vector<16xi32>
      %reduce_max3A_114 = arith.xori %reduce_max3A_113, %reduce_max3A_111 : vector<16xi32>
      %reduce_max3A_115 = vector.extract %reduce_max3A_114[15] : i32 from vector<16xi32>
      %ge3A_116 = vector.broadcast %reduce_max3A_115 : i32 to vector<16xi32>
      %ge3A_117 = arith.cmpi sge, %add3A_15, %ge3A_116 : vector<16xi32>
      %jit3A_118 = arith.constant 1 : i32
      %jit3A_119 = arith.constant 0 : i32
      %broadcast_in_dim3A_120 = vector.broadcast %jit3A_118 : i32 to vector<16xi32>
      %broadcast_in_dim3A_121 = vector.broadcast %jit3A_119 : i32 to vector<16xi32>
      %select_n3A_122 = arith.select %ge3A_117, %broadcast_in_dim3A_120, %broadcast_in_dim3A_121 : vector<16xi1>, vector<16xi32>
      %add3A_123 = arith.addi %add3A_101, %select_n3A_122 : vector<16xi32>
      %eq3A_124 = arith.constant 5 : i32
      %eq3A_125 = vector.broadcast %eq3A_124 : i32 to vector<16xi32>
      %eq3A_126 = arith.cmpi eq, %iota3A, %eq3A_125 : vector<16xi32>
      %jit3A_127 = arith.constant -1 : i32
      %broadcast_in_dim3A_128 = vector.broadcast %jit3A_127 : i32 to vector<16xi32>
      %select_n3A_129 = arith.select %eq3A_126, %masked_cumsum3A, %broadcast_in_dim3A_128 : vector<16xi1>, vector<16xi32>
      %reduce_max3A_130 = arith.constant true
      %reduce_max3A_131 = vector.broadcast %reduce_max3A_130 : i1 to vector<16xi1>
      %reduce_max3A_132 = arith.constant -2147483648 : i32
      %reduce_max3A_133 = vector.broadcast %reduce_max3A_132 : i32 to vector<16xi32>
      %reduce_max3A_134 = arith.xori %select_n3A_129, %reduce_max3A_133 : vector<16xi32>
      %reduce_max3A_135 = tpu.scan <max>, %reduce_max3A_134 masked %reduce_max3A_131 : vector<16xi32>, vector<16xi1> -> vector<16xi32>
      %reduce_max3A_136 = arith.xori %reduce_max3A_135, %reduce_max3A_133 : vector<16xi32>
      %reduce_max3A_137 = vector.extract %reduce_max3A_136[15] : i32 from vector<16xi32>
      %ge3A_138 = vector.broadcast %reduce_max3A_137 : i32 to vector<16xi32>
      %ge3A_139 = arith.cmpi sge, %add3A_15, %ge3A_138 : vector<16xi32>
      %jit3A_140 = arith.constant 1 : i32
      %jit3A_141 = arith.constant 0 : i32
      %broadcast_in_dim3A_142 = vector.broadcast %jit3A_140 : i32 to vector<16xi32>
      %broadcast_in_dim3A_143 = vector.broadcast %jit3A_141 : i32 to vector<16xi32>
      %select_n3A_144 = arith.select %ge3A_139, %broadcast_in_dim3A_142, %broadcast_in_dim3A_143 : vector<16xi1>, vector<16xi32>
      %add3A_145 = arith.addi %add3A_123, %select_n3A_144 : vector<16xi32>
      %eq3A_146 = arith.constant 6 : i32
      %eq3A_147 = vector.broadcast %eq3A_146 : i32 to vector<16xi32>
      %eq3A_148 = arith.cmpi eq, %iota3A, %eq3A_147 : vector<16xi32>
      %jit3A_149 = arith.constant -1 : i32
      %broadcast_in_dim3A_150 = vector.broadcast %jit3A_149 : i32 to vector<16xi32>
      %select_n3A_151 = arith.select %eq3A_148, %masked_cumsum3A, %broadcast_in_dim3A_150 : vector<16xi1>, vector<16xi32>
      %reduce_max3A_152 = arith.constant true
      %reduce_max3A_153 = vector.broadcast %reduce_max3A_152 : i1 to vector<16xi1>
      %reduce_max3A_154 = arith.constant -2147483648 : i32
      %reduce_max3A_155 = vector.broadcast %reduce_max3A_154 : i32 to vector<16xi32>
      %reduce_max3A_156 = arith.xori %select_n3A_151, %reduce_max3A_155 : vector<16xi32>
      %reduce_max3A_157 = tpu.scan <max>, %reduce_max3A_156 masked %reduce_max3A_153 : vector<16xi32>, vector<16xi1> -> vector<16xi32>
      %reduce_max3A_158 = arith.xori %reduce_max3A_157, %reduce_max3A_155 : vector<16xi32>
      %reduce_max3A_159 = vector.extract %reduce_max3A_158[15] : i32 from vector<16xi32>
      %ge3A_160 = vector.broadcast %reduce_max3A_159 : i32 to vector<16xi32>
      %ge3A_161 = arith.cmpi sge, %add3A_15, %ge3A_160 : vector<16xi32>
      %jit3A_162 = arith.constant 1 : i32
      %jit3A_163 = arith.constant 0 : i32
      %broadcast_in_dim3A_164 = vector.broadcast %jit3A_162 : i32 to vector<16xi32>
      %broadcast_in_dim3A_165 = vector.broadcast %jit3A_163 : i32 to vector<16xi32>
      %select_n3A_166 = arith.select %ge3A_161, %broadcast_in_dim3A_164, %broadcast_in_dim3A_165 : vector<16xi1>, vector<16xi32>
      %add3A_167 = arith.addi %add3A_145, %select_n3A_166 : vector<16xi32>
      %eq3A_168 = arith.constant 7 : i32
      %eq3A_169 = vector.broadcast %eq3A_168 : i32 to vector<16xi32>
      %eq3A_170 = arith.cmpi eq, %iota3A, %eq3A_169 : vector<16xi32>
      %jit3A_171 = arith.constant -1 : i32
      %broadcast_in_dim3A_172 = vector.broadcast %jit3A_171 : i32 to vector<16xi32>
      %select_n3A_173 = arith.select %eq3A_170, %masked_cumsum3A, %broadcast_in_dim3A_172 : vector<16xi1>, vector<16xi32>
      %reduce_max3A_174 = arith.constant true
      %reduce_max3A_175 = vector.broadcast %reduce_max3A_174 : i1 to vector<16xi1>
      %reduce_max3A_176 = arith.constant -2147483648 : i32
      %reduce_max3A_177 = vector.broadcast %reduce_max3A_176 : i32 to vector<16xi32>
      %reduce_max3A_178 = arith.xori %select_n3A_173, %reduce_max3A_177 : vector<16xi32>
      %reduce_max3A_179 = tpu.scan <max>, %reduce_max3A_178 masked %reduce_max3A_175 : vector<16xi32>, vector<16xi1> -> vector<16xi32>
      %reduce_max3A_180 = arith.xori %reduce_max3A_179, %reduce_max3A_177 : vector<16xi32>
      %reduce_max3A_181 = vector.extract %reduce_max3A_180[15] : i32 from vector<16xi32>
      %ge3A_182 = vector.broadcast %reduce_max3A_181 : i32 to vector<16xi32>
      %ge3A_183 = arith.cmpi sge, %add3A_15, %ge3A_182 : vector<16xi32>
      %jit3A_184 = arith.constant 1 : i32
      %jit3A_185 = arith.constant 0 : i32
      %broadcast_in_dim3A_186 = vector.broadcast %jit3A_184 : i32 to vector<16xi32>
      %broadcast_in_dim3A_187 = vector.broadcast %jit3A_185 : i32 to vector<16xi32>
      %select_n3A_188 = arith.select %ge3A_183, %broadcast_in_dim3A_186, %broadcast_in_dim3A_187 : vector<16xi1>, vector<16xi32>
      %add3A_189 = arith.addi %add3A_167, %select_n3A_188 : vector<16xi32>
      %min3A = arith.constant 7 : i32
      %min3A_190 = vector.broadcast %min3A : i32 to vector<16xi32>
      %min3A_191 = arith.minsi %add3A_189, %min3A_190 : vector<16xi32>
      %swap3A_192 = arith.constant 0 : index
      %swap3A_193 = tpu.vector_load %arg17[%swap3A_192] {strides = array<i32>} : memref<48xi32, #tpu.memory_space<vmem>>, vector<16xi32>,
      tpu.vector_store %arg17[%swap3A_192], %min3A_191 {strides = array<i32>} : memref<48xi32, #tpu.memory_space<vmem>>, vector<16xi32>,
      %add3A_194 = arith.constant 16 : i32
      %add3A_195 = vector.broadcast %add3A_194 : i32 to vector<16xi32>
      %add3A_196 = arith.addi %add3A_195, %iota3A : vector<16xi32>
      %broadcast_in_dim3A_197 = arith.constant 0 : i32
      %broadcast_in_dim3A_198 = vector.broadcast %broadcast_in_dim3A_197 : i32 to vector<16xi32>
      %eq3A_199 = arith.constant 0 : i32
      %eq3A_200 = vector.broadcast %eq3A_199 : i32 to vector<16xi32>
      %eq3A_201 = arith.cmpi eq, %iota3A, %eq3A_200 : vector<16xi32>
      %jit3A_202 = arith.constant -1 : i32
      %broadcast_in_dim3A_203 = vector.broadcast %jit3A_202 : i32 to vector<16xi32>
      %select_n3A_204 = arith.select %eq3A_201, %masked_cumsum3A, %broadcast_in_dim3A_203 : vector<16xi1>, vector<16xi32>
      %reduce_max3A_205 = arith.constant true
      %reduce_max3A_206 = vector.broadcast %reduce_max3A_205 : i1 to vector<16xi1>
      %reduce_max3A_207 = arith.constant -2147483648 : i32
      %reduce_max3A_208 = vector.broadcast %reduce_max3A_207 : i32 to vector<16xi32>
      %reduce_max3A_209 = arith.xori %select_n3A_204, %reduce_max3A_208 : vector<16xi32>
      %reduce_max3A_210 = tpu.scan <max>, %reduce_max3A_209 masked %reduce_max3A_206 : vector<16xi32>, vector<16xi1> -> vector<16xi32>
      %reduce_max3A_211 = arith.xori %reduce_max3A_210, %reduce_max3A_208 : vector<16xi32>
      %reduce_max3A_212 = vector.extract %reduce_max3A_211[15] : i32 from vector<16xi32>
      %ge3A_213 = vector.broadcast %reduce_max3A_212 : i32 to vector<16xi32>
      %ge3A_214 = arith.cmpi sge, %add3A_196, %ge3A_213 : vector<16xi32>
      %jit3A_215 = arith.constant 1 : i32
      %jit3A_216 = arith.constant 0 : i32
      %broadcast_in_dim3A_217 = vector.broadcast %jit3A_215 : i32 to vector<16xi32>
      %broadcast_in_dim3A_218 = vector.broadcast %jit3A_216 : i32 to vector<16xi32>
      %select_n3A_219 = arith.select %ge3A_214, %broadcast_in_dim3A_217, %broadcast_in_dim3A_218 : vector<16xi1>, vector<16xi32>
      %add3A_220 = arith.addi %broadcast_in_dim3A_198, %select_n3A_219 : vector<16xi32>
      %eq3A_221 = arith.constant 1 : i32
      %eq3A_222 = vector.broadcast %eq3A_221 : i32 to vector<16xi32>
      %eq3A_223 = arith.cmpi eq, %iota3A, %eq3A_222 : vector<16xi32>
      %jit3A_224 = arith.constant -1 : i32
      %broadcast_in_dim3A_225 = vector.broadcast %jit3A_224 : i32 to vector<16xi32>
      %select_n3A_226 = arith.select %eq3A_223, %masked_cumsum3A, %broadcast_in_dim3A_225 : vector<16xi1>, vector<16xi32>
      %reduce_max3A_227 = arith.constant true
      %reduce_max3A_228 = vector.broadcast %reduce_max3A_227 : i1 to vector<16xi1>
      %reduce_max3A_229 = arith.constant -2147483648 : i32
      %reduce_max3A_230 = vector.broadcast %reduce_max3A_229 : i32 to vector<16xi32>
      %reduce_max3A_231 = arith.xori %select_n3A_226, %reduce_max3A_230 : vector<16xi32>
      %reduce_max3A_232 = tpu.scan <max>, %reduce_max3A_231 masked %reduce_max3A_228 : vector<16xi32>, vector<16xi1> -> vector<16xi32>
      %reduce_max3A_233 = arith.xori %reduce_max3A_232, %reduce_max3A_230 : vector<16xi32>
      %reduce_max3A_234 = vector.extract %reduce_max3A_233[15] : i32 from vector<16xi32>
      %ge3A_235 = vector.broadcast %reduce_max3A_234 : i32 to vector<16xi32>
      %ge3A_236 = arith.cmpi sge, %add3A_196, %ge3A_235 : vector<16xi32>
      %jit3A_237 = arith.constant 1 : i32
      %jit3A_238 = arith.constant 0 : i32
      %broadcast_in_dim3A_239 = vector.broadcast %jit3A_237 : i32 to vector<16xi32>
      %broadcast_in_dim3A_240 = vector.broadcast %jit3A_238 : i32 to vector<16xi32>
      %select_n3A_241 = arith.select %ge3A_236, %broadcast_in_dim3A_239, %broadcast_in_dim3A_240 : vector<16xi1>, vector<16xi32>
      %add3A_242 = arith.addi %add3A_220, %select_n3A_241 : vector<16xi32>
      %eq3A_243 = arith.constant 2 : i32
      %eq3A_244 = vector.broadcast %eq3A_243 : i32 to vector<16xi32>
      %eq3A_245 = arith.cmpi eq, %iota3A, %eq3A_244 : vector<16xi32>
      %jit3A_246 = arith.constant -1 : i32
      %broadcast_in_dim3A_247 = vector.broadcast %jit3A_246 : i32 to vector<16xi32>
      %select_n3A_248 = arith.select %eq3A_245, %masked_cumsum3A, %broadcast_in_dim3A_247 : vector<16xi1>, vector<16xi32>
      %reduce_max3A_249 = arith.constant true
      %reduce_max3A_250 = vector.broadcast %reduce_max3A_249 : i1 to vector<16xi1>
      %reduce_max3A_251 = arith.constant -2147483648 : i32
      %reduce_max3A_252 = vector.broadcast %reduce_max3A_251 : i32 to vector<16xi32>
      %reduce_max3A_253 = arith.xori %select_n3A_248, %reduce_max3A_252 : vector<16xi32>
      %reduce_max3A_254 = tpu.scan <max>, %reduce_max3A_253 masked %reduce_max3A_250 : vector<16xi32>, vector<16xi1> -> vector<16xi32>
      %reduce_max3A_255 = arith.xori %reduce_max3A_254, %reduce_max3A_252 : vector<16xi32>
      %reduce_max3A_256 = vector.extract %reduce_max3A_255[15] : i32 from vector<16xi32>
      %ge3A_257 = vector.broadcast %reduce_max3A_256 : i32 to vector<16xi32>
      %ge3A_258 = arith.cmpi sge, %add3A_196, %ge3A_257 : vector<16xi32>
      %jit3A_259 = arith.constant 1 : i32
      %jit3A_260 = arith.constant 0 : i32
      %broadcast_in_dim3A_261 = vector.broadcast %jit3A_259 : i32 to vector<16xi32>
      %broadcast_in_dim3A_262 = vector.broadcast %jit3A_260 : i32 to vector<16xi32>
      %select_n3A_263 = arith.select %ge3A_258, %broadcast_in_dim3A_261, %broadcast_in_dim3A_262 : vector<16xi1>, vector<16xi32>
      %add3A_264 = arith.addi %add3A_242, %select_n3A_263 : vector<16xi32>
      %eq3A_265 = arith.constant 3 : i32
      %eq3A_266 = vector.broadcast %eq3A_265 : i32 to vector<16xi32>
      %eq3A_267 = arith.cmpi eq, %iota3A, %eq3A_266 : vector<16xi32>
      %jit3A_268 = arith.constant -1 : i32
      %broadcast_in_dim3A_269 = vector.broadcast %jit3A_268 : i32 to vector<16xi32>
      %select_n3A_270 = arith.select %eq3A_267, %masked_cumsum3A, %broadcast_in_dim3A_269 : vector<16xi1>, vector<16xi32>
      %reduce_max3A_271 = arith.constant true
      %reduce_max3A_272 = vector.broadcast %reduce_max3A_271 : i1 to vector<16xi1>
      %reduce_max3A_273 = arith.constant -2147483648 : i32
      %reduce_max3A_274 = vector.broadcast %reduce_max3A_273 : i32 to vector<16xi32>
      %reduce_max3A_275 = arith.xori %select_n3A_270, %reduce_max3A_274 : vector<16xi32>
      %reduce_max3A_276 = tpu.scan <max>, %reduce_max3A_275 masked %reduce_max3A_272 : vector<16xi32>, vector<16xi1> -> vector<16xi32>
      %reduce_max3A_277 = arith.xori %reduce_max3A_276, %reduce_max3A_274 : vector<16xi32>
      %reduce_max3A_278 = vector.extract %reduce_max3A_277[15] : i32 from vector<16xi32>
      %ge3A_279 = vector.broadcast %reduce_max3A_278 : i32 to vector<16xi32>
      %ge3A_280 = arith.cmpi sge, %add3A_196, %ge3A_279 : vector<16xi32>
      %jit3A_281 = arith.constant 1 : i32
      %jit3A_282 = arith.constant 0 : i32
      %broadcast_in_dim3A_283 = vector.broadcast %jit3A_281 : i32 to vector<16xi32>
      %broadcast_in_dim3A_284 = vector.broadcast %jit3A_282 : i32 to vector<16xi32>
      %select_n3A_285 = arith.select %ge3A_280, %broadcast_in_dim3A_283, %broadcast_in_dim3A_284 : vector<16xi1>, vector<16xi32>
      %add3A_286 = arith.addi %add3A_264, %select_n3A_285 : vector<16xi32>
      %eq3A_287 = arith.constant 4 : i32
      %eq3A_288 = vector.broadcast %eq3A_287 : i32 to vector<16xi32>
      %eq3A_289 = arith.cmpi eq, %iota3A, %eq3A_288 : vector<16xi32>
      %jit3A_290 = arith.constant -1 : i32
      %broadcast_in_dim3A_291 = vector.broadcast %jit3A_290 : i32 to vector<16xi32>
      %select_n3A_292 = arith.select %eq3A_289, %masked_cumsum3A, %broadcast_in_dim3A_291 : vector<16xi1>, vector<16xi32>
      %reduce_max3A_293 = arith.constant true
      %reduce_max3A_294 = vector.broadcast %reduce_max3A_293 : i1 to vector<16xi1>
      %reduce_max3A_295 = arith.constant -2147483648 : i32
      %reduce_max3A_296 = vector.broadcast %reduce_max3A_295 : i32 to vector<16xi32>
      %reduce_max3A_297 = arith.xori %select_n3A_292, %reduce_max3A_296 : vector<16xi32>
      %reduce_max3A_298 = tpu.scan <max>, %reduce_max3A_297 masked %reduce_max3A_294 : vector<16xi32>, vector<16xi1> -> vector<16xi32>
      %reduce_max3A_299 = arith.xori %reduce_max3A_298, %reduce_max3A_296 : vector<16xi32>
      %reduce_max3A_300 = vector.extract %reduce_max3A_299[15] : i32 from vector<16xi32>
      %ge3A_301 = vector.broadcast %reduce_max3A_300 : i32 to vector<16xi32>
      %ge3A_302 = arith.cmpi sge, %add3A_196, %ge3A_301 : vector<16xi32>
      %jit3A_303 = arith.constant 1 : i32
      %jit3A_304 = arith.constant 0 : i32
      %broadcast_in_dim3A_305 = vector.broadcast %jit3A_303 : i32 to vector<16xi32>
      %broadcast_in_dim3A_306 = vector.broadcast %jit3A_304 : i32 to vector<16xi32>
      %select_n3A_307 = arith.select %ge3A_302, %broadcast_in_dim3A_305, %broadcast_in_dim3A_306 : vector<16xi1>, vector<16xi32>
      %add3A_308 = arith.addi %add3A_286, %select_n3A_307 : vector<16xi32>
      %eq3A_309 = arith.constant 5 : i32
      %eq3A_310 = vector.broadcast %eq3A_309 : i32 to vector<16xi32>
      %eq3A_311 = arith.cmpi eq, %iota3A, %eq3A_310 : vector<16xi32>
      %jit3A_312 = arith.constant -1 : i32
      %broadcast_in_dim3A_313 = vector.broadcast %jit3A_312 : i32 to vector<16xi32>
      %select_n3A_314 = arith.select %eq3A_311, %masked_cumsum3A, %broadcast_in_dim3A_313 : vector<16xi1>, vector<16xi32>
      %reduce_max3A_315 = arith.constant true
      %reduce_max3A_316 = vector.broadcast %reduce_max3A_315 : i1 to vector<16xi1>
      %reduce_max3A_317 = arith.constant -2147483648 : i32
      %reduce_max3A_318 = vector.broadcast %reduce_max3A_317 : i32 to vector<16xi32>
      %reduce_max3A_319 = arith.xori %select_n3A_314, %reduce_max3A_318 : vector<16xi32>
      %reduce_max3A_320 = tpu.scan <max>, %reduce_max3A_319 masked %reduce_max3A_316 : vector<16xi32>, vector<16xi1> -> vector<16xi32>
      %reduce_max3A_321 = arith.xori %reduce_max3A_320, %reduce_max3A_318 : vector<16xi32>
      %reduce_max3A_322 = vector.extract %reduce_max3A_321[15] : i32 from vector<16xi32>
      %ge3A_323 = vector.broadcast %reduce_max3A_322 : i32 to vector<16xi32>
      %ge3A_324 = arith.cmpi sge, %add3A_196, %ge3A_323 : vector<16xi32>
      %jit3A_325 = arith.constant 1 : i32
      %jit3A_326 = arith.constant 0 : i32
      %broadcast_in_dim3A_327 = vector.broadcast %jit3A_325 : i32 to vector<16xi32>
      %broadcast_in_dim3A_328 = vector.broadcast %jit3A_326 : i32 to vector<16xi32>
      %select_n3A_329 = arith.select %ge3A_324, %broadcast_in_dim3A_327, %broadcast_in_dim3A_328 : vector<16xi1>, vector<16xi32>
      %add3A_330 = arith.addi %add3A_308, %select_n3A_329 : vector<16xi32>
      %eq3A_331 = arith.constant 6 : i32
      %eq3A_332 = vector.broadcast %eq3A_331 : i32 to vector<16xi32>
      %eq3A_333 = arith.cmpi eq, %iota3A, %eq3A_332 : vector<16xi32>
      %jit3A_334 = arith.constant -1 : i32
      %broadcast_in_dim3A_335 = vector.broadcast %jit3A_334 : i32 to vector<16xi32>
      %select_n3A_336 = arith.select %eq3A_333, %masked_cumsum3A, %broadcast_in_dim3A_335 : vector<16xi1>, vector<16xi32>
      %reduce_max3A_337 = arith.constant true
      %reduce_max3A_338 = vector.broadcast %reduce_max3A_337 : i1 to vector<16xi1>
      %reduce_max3A_339 = arith.constant -2147483648 : i32
      %reduce_max3A_340 = vector.broadcast %reduce_max3A_339 : i32 to vector<16xi32>
      %reduce_max3A_341 = arith.xori %select_n3A_336, %reduce_max3A_340 : vector<16xi32>
      %reduce_max3A_342 = tpu.scan <max>, %reduce_max3A_341 masked %reduce_max3A_338 : vector<16xi32>, vector<16xi1> -> vector<16xi32>
      %reduce_max3A_343 = arith.xori %reduce_max3A_342, %reduce_max3A_340 : vector<16xi32>
      %reduce_max3A_344 = vector.extract %reduce_max3A_343[15] : i32 from vector<16xi32>
      %ge3A_345 = vector.broadcast %reduce_max3A_344 : i32 to vector<16xi32>
      %ge3A_346 = arith.cmpi sge, %add3A_196, %ge3A_345 : vector<16xi32>
      %jit3A_347 = arith.constant 1 : i32
      %jit3A_348 = arith.constant 0 : i32
      %broadcast_in_dim3A_349 = vector.broadcast %jit3A_347 : i32 to vector<16xi32>
      %broadcast_in_dim3A_350 = vector.broadcast %jit3A_348 : i32 to vector<16xi32>
      %select_n3A_351 = arith.select %ge3A_346, %broadcast_in_dim3A_349, %broadcast_in_dim3A_350 : vector<16xi1>, vector<16xi32>
      %add3A_352 = arith.addi %add3A_330, %select_n3A_351 : vector<16xi32>
      %eq3A_353 = arith.constant 7 : i32
      %eq3A_354 = vector.broadcast %eq3A_353 : i32 to vector<16xi32>
      %eq3A_355 = arith.cmpi eq, %iota3A, %eq3A_354 : vector<16xi32>
      %jit3A_356 = arith.constant -1 : i32
      %broadcast_in_dim3A_357 = vector.broadcast %jit3A_356 : i32 to vector<16xi32>
      %select_n3A_358 = arith.select %eq3A_355, %masked_cumsum3A, %broadcast_in_dim3A_357 : vector<16xi1>, vector<16xi32>
      %reduce_max3A_359 = arith.constant true
      %reduce_max3A_360 = vector.broadcast %reduce_max3A_359 : i1 to vector<16xi1>
      %reduce_max3A_361 = arith.constant -2147483648 : i32
      %reduce_max3A_362 = vector.broadcast %reduce_max3A_361 : i32 to vector<16xi32>
      %reduce_max3A_363 = arith.xori %select_n3A_358, %reduce_max3A_362 : vector<16xi32>
      %reduce_max3A_364 = tpu.scan <max>, %reduce_max3A_363 masked %reduce_max3A_360 : vector<16xi32>, vector<16xi1> -> vector<16xi32>
      %reduce_max3A_365 = arith.xori %reduce_max3A_364, %reduce_max3A_362 : vector<16xi32>
      %reduce_max3A_366 = vector.extract %reduce_max3A_365[15] : i32 from vector<16xi32>
      %ge3A_367 = vector.broadcast %reduce_max3A_366 : i32 to vector<16xi32>
      %ge3A_368 = arith.cmpi sge, %add3A_196, %ge3A_367 : vector<16xi32>
      %jit3A_369 = arith.constant 1 : i32
      %jit3A_370 = arith.constant 0 : i32
      %broadcast_in_dim3A_371 = vector.broadcast %jit3A_369 : i32 to vector<16xi32>
      %broadcast_in_dim3A_372 = vector.broadcast %jit3A_370 : i32 to vector<16xi32>
      %select_n3A_373 = arith.select %ge3A_368, %broadcast_in_dim3A_371, %broadcast_in_dim3A_372 : vector<16xi1>, vector<16xi32>
      %add3A_374 = arith.addi %add3A_352, %select_n3A_373 : vector<16xi32>
      %min3A_375 = arith.constant 7 : i32
      %min3A_376 = vector.broadcast %min3A_375 : i32 to vector<16xi32>
      %min3A_377 = arith.minsi %add3A_374, %min3A_376 : vector<16xi32>
      %swap3A_378 = arith.constant 16 : index
      %swap3A_379 = tpu.vector_load %arg17[%swap3A_378] {strides = array<i32>} : memref<48xi32, #tpu.memory_space<vmem>>, vector<16xi32>,
      tpu.vector_store %arg17[%swap3A_378], %min3A_377 {strides = array<i32>} : memref<48xi32, #tpu.memory_space<vmem>>, vector<16xi32>,
      %add3A_380 = arith.constant 32 : i32
      %add3A_381 = vector.broadcast %add3A_380 : i32 to vector<16xi32>
      %add3A_382 = arith.addi %add3A_381, %iota3A : vector<16xi32>
      %broadcast_in_dim3A_383 = arith.constant 0 : i32
      %broadcast_in_dim3A_384 = vector.broadcast %broadcast_in_dim3A_383 : i32 to vector<16xi32>
      %eq3A_385 = arith.constant 0 : i32
      %eq3A_386 = vector.broadcast %eq3A_385 : i32 to vector<16xi32>
      %eq3A_387 = arith.cmpi eq, %iota3A, %eq3A_386 : vector<16xi32>
      %jit3A_388 = arith.constant -1 : i32
      %broadcast_in_dim3A_389 = vector.broadcast %jit3A_388 : i32 to vector<16xi32>
      %select_n3A_390 = arith.select %eq3A_387, %masked_cumsum3A, %broadcast_in_dim3A_389 : vector<16xi1>, vector<16xi32>
      %reduce_max3A_391 = arith.constant true
      %reduce_max3A_392 = vector.broadcast %reduce_max3A_391 : i1 to vector<16xi1>
      %reduce_max3A_393 = arith.constant -2147483648 : i32
      %reduce_max3A_394 = vector.broadcast %reduce_max3A_393 : i32 to vector<16xi32>
      %reduce_max3A_395 = arith.xori %select_n3A_390, %reduce_max3A_394 : vector<16xi32>
      %reduce_max3A_396 = tpu.scan <max>, %reduce_max3A_395 masked %reduce_max3A_392 : vector<16xi32>, vector<16xi1> -> vector<16xi32>
      %reduce_max3A_397 = arith.xori %reduce_max3A_396, %reduce_max3A_394 : vector<16xi32>
      %reduce_max3A_398 = vector.extract %reduce_max3A_397[15] : i32 from vector<16xi32>
      %ge3A_399 = vector.broadcast %reduce_max3A_398 : i32 to vector<16xi32>
      %ge3A_400 = arith.cmpi sge, %add3A_382, %ge3A_399 : vector<16xi32>
      %jit3A_401 = arith.constant 1 : i32
      %jit3A_402 = arith.constant 0 : i32
      %broadcast_in_dim3A_403 = vector.broadcast %jit3A_401 : i32 to vector<16xi32>
      %broadcast_in_dim3A_404 = vector.broadcast %jit3A_402 : i32 to vector<16xi32>
      %select_n3A_405 = arith.select %ge3A_400, %broadcast_in_dim3A_403, %broadcast_in_dim3A_404 : vector<16xi1>, vector<16xi32>
      %add3A_406 = arith.addi %broadcast_in_dim3A_384, %select_n3A_405 : vector<16xi32>
      %eq3A_407 = arith.constant 1 : i32
      %eq3A_408 = vector.broadcast %eq3A_407 : i32 to vector<16xi32>
      %eq3A_409 = arith.cmpi eq, %iota3A, %eq3A_408 : vector<16xi32>
      %jit3A_410 = arith.constant -1 : i32
      %broadcast_in_dim3A_411 = vector.broadcast %jit3A_410 : i32 to vector<16xi32>
      %select_n3A_412 = arith.select %eq3A_409, %masked_cumsum3A, %broadcast_in_dim3A_411 : vector<16xi1>, vector<16xi32>
      %reduce_max3A_413 = arith.constant true
      %reduce_max3A_414 = vector.broadcast %reduce_max3A_413 : i1 to vector<16xi1>
      %reduce_max3A_415 = arith.constant -2147483648 : i32
      %reduce_max3A_416 = vector.broadcast %reduce_max3A_415 : i32 to vector<16xi32>
      %reduce_max3A_417 = arith.xori %select_n3A_412, %reduce_max3A_416 : vector<16xi32>
      %reduce_max3A_418 = tpu.scan <max>, %reduce_max3A_417 masked %reduce_max3A_414 : vector<16xi32>, vector<16xi1> -> vector<16xi32>
      %reduce_max3A_419 = arith.xori %reduce_max3A_418, %reduce_max3A_416 : vector<16xi32>
      %reduce_max3A_420 = vector.extract %reduce_max3A_419[15] : i32 from vector<16xi32>
      %ge3A_421 = vector.broadcast %reduce_max3A_420 : i32 to vector<16xi32>
      %ge3A_422 = arith.cmpi sge, %add3A_382, %ge3A_421 : vector<16xi32>
      %jit3A_423 = arith.constant 1 : i32
      %jit3A_424 = arith.constant 0 : i32
      %broadcast_in_dim3A_425 = vector.broadcast %jit3A_423 : i32 to vector<16xi32>
      %broadcast_in_dim3A_426 = vector.broadcast %jit3A_424 : i32 to vector<16xi32>
      %select_n3A_427 = arith.select %ge3A_422, %broadcast_in_dim3A_425, %broadcast_in_dim3A_426 : vector<16xi1>, vector<16xi32>
      %add3A_428 = arith.addi %add3A_406, %select_n3A_427 : vector<16xi32>
      %eq3A_429 = arith.constant 2 : i32
      %eq3A_430 = vector.broadcast %eq3A_429 : i32 to vector<16xi32>
      %eq3A_431 = arith.cmpi eq, %iota3A, %eq3A_430 : vector<16xi32>
      %jit3A_432 = arith.constant -1 : i32
      %broadcast_in_dim3A_433 = vector.broadcast %jit3A_432 : i32 to vector<16xi32>
      %select_n3A_434 = arith.select %eq3A_431, %masked_cumsum3A, %broadcast_in_dim3A_433 : vector<16xi1>, vector<16xi32>
      %reduce_max3A_435 = arith.constant true
      %reduce_max3A_436 = vector.broadcast %reduce_max3A_435 : i1 to vector<16xi1>
      %reduce_max3A_437 = arith.constant -2147483648 : i32
      %reduce_max3A_438 = vector.broadcast %reduce_max3A_437 : i32 to vector<16xi32>
      %reduce_max3A_439 = arith.xori %select_n3A_434, %reduce_max3A_438 : vector<16xi32>
      %reduce_max3A_440 = tpu.scan <max>, %reduce_max3A_439 masked %reduce_max3A_436 : vector<16xi32>, vector<16xi1> -> vector<16xi32>
      %reduce_max3A_441 = arith.xori %reduce_max3A_440, %reduce_max3A_438 : vector<16xi32>
      %reduce_max3A_442 = vector.extract %reduce_max3A_441[15] : i32 from vector<16xi32>
      %ge3A_443 = vector.broadcast %reduce_max3A_442 : i32 to vector<16xi32>
      %ge3A_444 = arith.cmpi sge, %add3A_382, %ge3A_443 : vector<16xi32>
      %jit3A_445 = arith.constant 1 : i32
      %jit3A_446 = arith.constant 0 : i32
      %broadcast_in_dim3A_447 = vector.broadcast %jit3A_445 : i32 to vector<16xi32>
      %broadcast_in_dim3A_448 = vector.broadcast %jit3A_446 : i32 to vector<16xi32>
      %select_n3A_449 = arith.select %ge3A_444, %broadcast_in_dim3A_447, %broadcast_in_dim3A_448 : vector<16xi1>, vector<16xi32>
      %add3A_450 = arith.addi %add3A_428, %select_n3A_449 : vector<16xi32>
      %eq3A_451 = arith.constant 3 : i32
      %eq3A_452 = vector.broadcast %eq3A_451 : i32 to vector<16xi32>
      %eq3A_453 = arith.cmpi eq, %iota3A, %eq3A_452 : vector<16xi32>
      %jit3A_454 = arith.constant -1 : i32
      %broadcast_in_dim3A_455 = vector.broadcast %jit3A_454 : i32 to vector<16xi32>
      %select_n3A_456 = arith.select %eq3A_453, %masked_cumsum3A, %broadcast_in_dim3A_455 : vector<16xi1>, vector<16xi32>
      %reduce_max3A_457 = arith.constant true
      %reduce_max3A_458 = vector.broadcast %reduce_max3A_457 : i1 to vector<16xi1>
      %reduce_max3A_459 = arith.constant -2147483648 : i32
      %reduce_max3A_460 = vector.broadcast %reduce_max3A_459 : i32 to vector<16xi32>
      %reduce_max3A_461 = arith.xori %select_n3A_456, %reduce_max3A_460 : vector<16xi32>
      %reduce_max3A_462 = tpu.scan <max>, %reduce_max3A_461 masked %reduce_max3A_458 : vector<16xi32>, vector<16xi1> -> vector<16xi32>
      %reduce_max3A_463 = arith.xori %reduce_max3A_462, %reduce_max3A_460 : vector<16xi32>
      %reduce_max3A_464 = vector.extract %reduce_max3A_463[15] : i32 from vector<16xi32>
      %ge3A_465 = vector.broadcast %reduce_max3A_464 : i32 to vector<16xi32>
      %ge3A_466 = arith.cmpi sge, %add3A_382, %ge3A_465 : vector<16xi32>
      %jit3A_467 = arith.constant 1 : i32
      %jit3A_468 = arith.constant 0 : i32
      %broadcast_in_dim3A_469 = vector.broadcast %jit3A_467 : i32 to vector<16xi32>
      %broadcast_in_dim3A_470 = vector.broadcast %jit3A_468 : i32 to vector<16xi32>
      %select_n3A_471 = arith.select %ge3A_466, %broadcast_in_dim3A_469, %broadcast_in_dim3A_470 : vector<16xi1>, vector<16xi32>
      %add3A_472 = arith.addi %add3A_450, %select_n3A_471 : vector<16xi32>
      %eq3A_473 = arith.constant 4 : i32
      %eq3A_474 = vector.broadcast %eq3A_473 : i32 to vector<16xi32>
      %eq3A_475 = arith.cmpi eq, %iota3A, %eq3A_474 : vector<16xi32>
      %jit3A_476 = arith.constant -1 : i32
      %broadcast_in_dim3A_477 = vector.broadcast %jit3A_476 : i32 to vector<16xi32>
      %select_n3A_478 = arith.select %eq3A_475, %masked_cumsum3A, %broadcast_in_dim3A_477 : vector<16xi1>, vector<16xi32>
      %reduce_max3A_479 = arith.constant true
      %reduce_max3A_480 = vector.broadcast %reduce_max3A_479 : i1 to vector<16xi1>
      %reduce_max3A_481 = arith.constant -2147483648 : i32
      %reduce_max3A_482 = vector.broadcast %reduce_max3A_481 : i32 to vector<16xi32>
      %reduce_max3A_483 = arith.xori %select_n3A_478, %reduce_max3A_482 : vector<16xi32>
      %reduce_max3A_484 = tpu.scan <max>, %reduce_max3A_483 masked %reduce_max3A_480 : vector<16xi32>, vector<16xi1> -> vector<16xi32>
      %reduce_max3A_485 = arith.xori %reduce_max3A_484, %reduce_max3A_482 : vector<16xi32>
      %reduce_max3A_486 = vector.extract %reduce_max3A_485[15] : i32 from vector<16xi32>
      %ge3A_487 = vector.broadcast %reduce_max3A_486 : i32 to vector<16xi32>
      %ge3A_488 = arith.cmpi sge, %add3A_382, %ge3A_487 : vector<16xi32>
      %jit3A_489 = arith.constant 1 : i32
      %jit3A_490 = arith.constant 0 : i32
      %broadcast_in_dim3A_491 = vector.broadcast %jit3A_489 : i32 to vector<16xi32>
      %broadcast_in_dim3A_492 = vector.broadcast %jit3A_490 : i32 to vector<16xi32>
      %select_n3A_493 = arith.select %ge3A_488, %broadcast_in_dim3A_491, %broadcast_in_dim3A_492 : vector<16xi1>, vector<16xi32>
      %add3A_494 = arith.addi %add3A_472, %select_n3A_493 : vector<16xi32>
      %eq3A_495 = arith.constant 5 : i32
      %eq3A_496 = vector.broadcast %eq3A_495 : i32 to vector<16xi32>
      %eq3A_497 = arith.cmpi eq, %iota3A, %eq3A_496 : vector<16xi32>
      %jit3A_498 = arith.constant -1 : i32
      %broadcast_in_dim3A_499 = vector.broadcast %jit3A_498 : i32 to vector<16xi32>
      %select_n3A_500 = arith.select %eq3A_497, %masked_cumsum3A, %broadcast_in_dim3A_499 : vector<16xi1>, vector<16xi32>
      %reduce_max3A_501 = arith.constant true
      %reduce_max3A_502 = vector.broadcast %reduce_max3A_501 : i1 to vector<16xi1>
      %reduce_max3A_503 = arith.constant -2147483648 : i32
      %reduce_max3A_504 = vector.broadcast %reduce_max3A_503 : i32 to vector<16xi32>
      %reduce_max3A_505 = arith.xori %select_n3A_500, %reduce_max3A_504 : vector<16xi32>
      %reduce_max3A_506 = tpu.scan <max>, %reduce_max3A_505 masked %reduce_max3A_502 : vector<16xi32>, vector<16xi1> -> vector<16xi32>
      %reduce_max3A_507 = arith.xori %reduce_max3A_506, %reduce_max3A_504 : vector<16xi32>
      %reduce_max3A_508 = vector.extract %reduce_max3A_507[15] : i32 from vector<16xi32>
      %ge3A_509 = vector.broadcast %reduce_max3A_508 : i32 to vector<16xi32>
      %ge3A_510 = arith.cmpi sge, %add3A_382, %ge3A_509 : vector<16xi32>
      %jit3A_511 = arith.constant 1 : i32
      %jit3A_512 = arith.constant 0 : i32
      %broadcast_in_dim3A_513 = vector.broadcast %jit3A_511 : i32 to vector<16xi32>
      %broadcast_in_dim3A_514 = vector.broadcast %jit3A_512 : i32 to vector<16xi32>
      %select_n3A_515 = arith.select %ge3A_510, %broadcast_in_dim3A_513, %broadcast_in_dim3A_514 : vector<16xi1>, vector<16xi32>
      %add3A_516 = arith.addi %add3A_494, %select_n3A_515 : vector<16xi32>
      %eq3A_517 = arith.constant 6 : i32
      %eq3A_518 = vector.broadcast %eq3A_517 : i32 to vector<16xi32>
      %eq3A_519 = arith.cmpi eq, %iota3A, %eq3A_518 : vector<16xi32>
      %jit3A_520 = arith.constant -1 : i32
      %broadcast_in_dim3A_521 = vector.broadcast %jit3A_520 : i32 to vector<16xi32>
      %select_n3A_522 = arith.select %eq3A_519, %masked_cumsum3A, %broadcast_in_dim3A_521 : vector<16xi1>, vector<16xi32>
      %reduce_max3A_523 = arith.constant true
      %reduce_max3A_524 = vector.broadcast %reduce_max3A_523 : i1 to vector<16xi1>
      %reduce_max3A_525 = arith.constant -2147483648 : i32
      %reduce_max3A_526 = vector.broadcast %reduce_max3A_525 : i32 to vector<16xi32>
      %reduce_max3A_527 = arith.xori %select_n3A_522, %reduce_max3A_526 : vector<16xi32>
      %reduce_max3A_528 = tpu.scan <max>, %reduce_max3A_527 masked %reduce_max3A_524 : vector<16xi32>, vector<16xi1> -> vector<16xi32>
      %reduce_max3A_529 = arith.xori %reduce_max3A_528, %reduce_max3A_526 : vector<16xi32>
      %reduce_max3A_530 = vector.extract %reduce_max3A_529[15] : i32 from vector<16xi32>
      %ge3A_531 = vector.broadcast %reduce_max3A_530 : i32 to vector<16xi32>
      %ge3A_532 = arith.cmpi sge, %add3A_382, %ge3A_531 : vector<16xi32>
      %jit3A_533 = arith.constant 1 : i32
      %jit3A_534 = arith.constant 0 : i32
      %broadcast_in_dim3A_535 = vector.broadcast %jit3A_533 : i32 to vector<16xi32>
      %broadcast_in_dim3A_536 = vector.broadcast %jit3A_534 : i32 to vector<16xi32>
      %select_n3A_537 = arith.select %ge3A_532, %broadcast_in_dim3A_535, %broadcast_in_dim3A_536 : vector<16xi1>, vector<16xi32>
      %add3A_538 = arith.addi %add3A_516, %select_n3A_537 : vector<16xi32>
      %eq3A_539 = arith.constant 7 : i32
      %eq3A_540 = vector.broadcast %eq3A_539 : i32 to vector<16xi32>
      %eq3A_541 = arith.cmpi eq, %iota3A, %eq3A_540 : vector<16xi32>
      %jit3A_542 = arith.constant -1 : i32
      %broadcast_in_dim3A_543 = vector.broadcast %jit3A_542 : i32 to vector<16xi32>
      %select_n3A_544 = arith.select %eq3A_541, %masked_cumsum3A, %broadcast_in_dim3A_543 : vector<16xi1>, vector<16xi32>
      %reduce_max3A_545 = arith.constant true
      %reduce_max3A_546 = vector.broadcast %reduce_max3A_545 : i1 to vector<16xi1>
      %reduce_max3A_547 = arith.constant -2147483648 : i32
      %reduce_max3A_548 = vector.broadcast %reduce_max3A_547 : i32 to vector<16xi32>
      %reduce_max3A_549 = arith.xori %select_n3A_544, %reduce_max3A_548 : vector<16xi32>
      %reduce_max3A_550 = tpu.scan <max>, %reduce_max3A_549 masked %reduce_max3A_546 : vector<16xi32>, vector<16xi1> -> vector<16xi32>
      %reduce_max3A_551 = arith.xori %reduce_max3A_550, %reduce_max3A_548 : vector<16xi32>
      %reduce_max3A_552 = vector.extract %reduce_max3A_551[15] : i32 from vector<16xi32>
      %ge3A_553 = vector.broadcast %reduce_max3A_552 : i32 to vector<16xi32>
      %ge3A_554 = arith.cmpi sge, %add3A_382, %ge3A_553 : vector<16xi32>
      %jit3A_555 = arith.constant 1 : i32
      %jit3A_556 = arith.constant 0 : i32
      %broadcast_in_dim3A_557 = vector.broadcast %jit3A_555 : i32 to vector<16xi32>
      %broadcast_in_dim3A_558 = vector.broadcast %jit3A_556 : i32 to vector<16xi32>
      %select_n3A_559 = arith.select %ge3A_554, %broadcast_in_dim3A_557, %broadcast_in_dim3A_558 : vector<16xi1>, vector<16xi32>
      %add3A_560 = arith.addi %add3A_538, %select_n3A_559 : vector<16xi32>
      %min3A_561 = arith.constant 7 : i32
      %min3A_562 = vector.broadcast %min3A_561 : i32 to vector<16xi32>
      %min3A_563 = arith.minsi %add3A_560, %min3A_562 : vector<16xi32>
      %swap3A_564 = arith.constant 32 : index
      %swap3A_565 = tpu.vector_load %arg17[%swap3A_564] {strides = array<i32>} : memref<48xi32, #tpu.memory_space<vmem>>, vector<16xi32>,
      tpu.vector_store %arg17[%swap3A_564], %min3A_563 {strides = array<i32>} : memref<48xi32, #tpu.memory_space<vmem>>, vector<16xi32>,
      %reduce_max3A_566 = arith.constant true
      %reduce_max3A_567 = vector.broadcast %reduce_max3A_566 : i1 to vector<16xi1>
      %reduce_max3A_568 = arith.constant -2147483648 : i32
      %reduce_max3A_569 = vector.broadcast %reduce_max3A_568 : i32 to vector<16xi32>
      %reduce_max3A_570 = arith.xori %masked_cumsum3A, %reduce_max3A_569 : vector<16xi32>
      %reduce_max3A_571 = tpu.scan <max>, %reduce_max3A_570 masked %reduce_max3A_567 : vector<16xi32>, vector<16xi1> -> vector<16xi32>
      %reduce_max3A_572 = arith.xori %reduce_max3A_571, %reduce_max3A_569 : vector<16xi32>
      %reduce_max3A_573 = vector.extract %reduce_max3A_572[15] : i32 from vector<16xi32>
      %broadcast_in_dim3A_574 = vector.broadcast %reduce_max3A_573 : i32 to vector<16xi32>
      %swap3A_575 = arith.constant 0 : index
      %swap3A_576 = tpu.vector_load %arg18[%swap3A_575] {strides = array<i32>} : memref<16xi32, #tpu.memory_space<vmem>>, vector<16xi32>,
      tpu.vector_store %arg18[%swap3A_575], %broadcast_in_dim3A_574 {strides = array<i32>} : memref<16xi32, #tpu.memory_space<vmem>>, vector<16xi32>,
      %scan3A = arith.constant 0 : i32
      %scan3A_577 = arith.constant 0 : i32
      %scan3A_578 = arith.constant 320 : i32
      %scan3A_579 = arith.addi %scan3A_577, %scan3A_578 : i32
      %scan3A_580 = arith.constant 1 : i32
      scf.for %scan3A_588 = %scan3A_577 to %scan3A_579 step %scan3A_580  : i32 {
        %mul3A_589 = arith.constant 16 : i32
        %mul3A_590 = arith.muli %scan3A_588, %mul3A_589 : i32
        %add3A_591 = vector.broadcast %mul3A_590 : i32 to vector<16xi32>
        %add3A_592 = arith.addi %add3A_591, %iota3A : vector<16xi32>
        %and3A_593 = arith.constant 2047 : i32
        %and3A_594 = vector.broadcast %and3A_593 : i32 to vector<16xi32>
        %and3A_595 = arith.andi %add3A_592, %and3A_594 : vector<16xi32>
        %mul3A_596 = arith.constant 16 : i32
        %mul3A_597 = arith.muli %scan3A_588, %mul3A_596 : i32
        %swap3A_598 = arith.index_cast %mul3A_597 : i32 to index
        %swap3A_599 = tpu.vector_load %arg14[%swap3A_598] {strides = array<i32>} : memref<5120xi32, #tpu.memory_space<vmem>>, vector<16xi32>,
        tpu.vector_store %arg14[%swap3A_598], %and3A_595 {strides = array<i32>} : memref<5120xi32, #tpu.memory_space<vmem>>, vector<16xi32>,
        %and3A_600 = arith.constant 1023 : i32
        %and3A_601 = vector.broadcast %and3A_600 : i32 to vector<16xi32>
        %and3A_602 = arith.andi %add3A_592, %and3A_601 : vector<16xi32>
        %add3A_603 = arith.constant 4096 : i32
        %add3A_604 = vector.broadcast %add3A_603 : i32 to vector<16xi32>
        %add3A_605 = arith.addi %add3A_604, %and3A_602 : vector<16xi32>
        %mul3A_606 = arith.constant 16 : i32
        %mul3A_607 = arith.muli %scan3A_588, %mul3A_606 : i32
        %swap3A_608 = arith.index_cast %mul3A_607 : i32 to index
        %swap3A_609 = tpu.vector_load %arg15[%swap3A_608] {strides = array<i32>} : memref<5120xi32, #tpu.memory_space<vmem>>, vector<16xi32>,
        tpu.vector_store %arg15[%swap3A_608], %add3A_605 {strides = array<i32>} : memref<5120xi32, #tpu.memory_space<vmem>>, vector<16xi32>,
        %broadcast_in_dim3A_610 = arith.constant 0.000000e+00 : f32
        %broadcast_in_dim3A_611 = vector.broadcast %broadcast_in_dim3A_610 : f32 to vector<16xf32>
        %mul3A_612 = arith.constant 16 : i32
        %mul3A_613 = arith.muli %scan3A_588, %mul3A_612 : i32
        %swap3A_614 = arith.index_cast %mul3A_613 : i32 to index
        %swap3A_615 = tpu.vector_load %arg16[%swap3A_614] {strides = array<i32>} : memref<5120xf32, #tpu.memory_space<vmem>>, vector<16xf32>,
        tpu.vector_store %arg16[%swap3A_614], %broadcast_in_dim3A_611 {strides = array<i32>} : memref<5120xf32, #tpu.memory_space<vmem>>, vector<16xf32>,
      }
      %scan3A_581 = arith.constant 320 : i32
      %scan3A_582 = arith.constant 0 : i32
      %scan3A_583 = arith.constant 0 : i32
      %scan3A_584 = arith.constant 256 : i32
      %scan3A_585 = arith.addi %scan3A_583, %scan3A_584 : i32
      %scan3A_586 = arith.constant 1 : i32
      scf.for %scan3A_588 = %scan3A_583 to %scan3A_585 step %scan3A_586  : i32 {
        %mul3A_589 = arith.constant 16 : i32
        %mul3A_590 = arith.muli %scan3A_588, %mul3A_589 : i32
        %get3A_591 = arith.index_cast %mul3A_590 : i32 to index
        %get3A_592 = tpu.vector_load %arg10[%get3A_591] {strides = array<i32>} : memref<4096xi32, #tpu.memory_space<vmem>>, vector<16xi32>,
        %get3A_593 = arith.index_cast %mul3A_590 : i32 to index
        %get3A_594 = tpu.vector_load %arg11[%get3A_593] {strides = array<i32>} : memref<4096xf32, #tpu.memory_space<vmem>>, vector<16xf32>,
        %masked_sort3A = arith.constant dense<true> : vector<16xi1>
        %masked_sort3A_595 = arith.constant -2147483648 : i32
        %masked_sort3A_596 = vector.broadcast %masked_sort3A_595 : i32 to vector<16xi32>
        %masked_sort3A_597 = arith.xori %get3A_592, %masked_sort3A_596 : vector<16xi32>
        %masked_sort3A_598, %masked_sort3A_599, %masked_sort3A_600 = tpu.sort %masked_sort3A_597, %iota3A masked %masked_sort3A : (vector<16xi32>, vector<16xi32>, vector<16xi1>) -> (vector<16xi1>, vector<16xi32>, vector<16xi32>)
        %masked_sort3A_601 = arith.xori %masked_sort3A_599, %masked_sort3A_596 : vector<16xi32>
        %sub3A_602 = arith.constant 1 : i32
        %sub3A_603 = vector.broadcast %sub3A_602 : i32 to vector<16xi32>
        %sub3A_604 = arith.subi %iota3A, %sub3A_603 : vector<16xi32>
        %max3A = arith.constant 0 : i32
        %max3A_605 = vector.broadcast %max3A : i32 to vector<16xi32>
        %max3A_606 = arith.maxsi %sub3A_604, %max3A_605 : vector<16xi32>
        %lt3A = arith.constant 0 : i32
        %lt3A_607 = vector.broadcast %lt3A : i32 to vector<16xi32>
        %lt3A_608 = arith.cmpi slt, %max3A_606, %lt3A_607 : vector<16xi32>
        %add3A_609 = arith.constant 16 : i32
        %add3A_610 = vector.broadcast %add3A_609 : i32 to vector<16xi32>
        %add3A_611 = arith.addi %max3A_606, %add3A_610 : vector<16xi32>
        %select_n3A_612 = arith.select %lt3A_608, %add3A_611, %max3A_606 : vector<16xi1>, vector<16xi32>
        %broadcast_in_dim3A_613 = vector.shape_cast %select_n3A_612 : vector<16xi32> to vector<16x1xi32>
        %gather3A = vector.shape_cast %broadcast_in_dim3A_613 : vector<16x1xi32> to vector<16xi32>
        %gather3A_614 = tpu.dynamic_gather %masked_sort3A_601[%gather3A] in [0] : vector<16xi32>, vector<16xi32> -> vector<16xi32>
        %eq3A_615 = arith.constant 0 : i32
        %eq3A_616 = vector.broadcast %eq3A_615 : i32 to vector<16xi32>
        %eq3A_617 = arith.cmpi eq, %iota3A, %eq3A_616 : vector<16xi32>
        %ne3A = arith.cmpi ne, %masked_sort3A_601, %gather3A_614 : vector<16xi32>
        %or3A = arith.ori %eq3A_617, %ne3A : vector<16xi1>
        %jit3A_618 = arith.constant 0 : i32
        %broadcast_in_dim3A_619 = vector.broadcast %jit3A_618 : i32 to vector<16xi32>
        %select_n3A_620 = arith.select %or3A, %iota3A, %broadcast_in_dim3A_619 : vector<16xi1>, vector<16xi32>
        %broadcast_in_dim3A_621 = arith.constant true
        %broadcast_in_dim3A_622 = vector.broadcast %broadcast_in_dim3A_621 : i1 to vector<16xi1>
        %masked_cummax3A = arith.constant -2147483648 : i32
        %masked_cummax3A_623 = vector.broadcast %masked_cummax3A : i32 to vector<16xi32>
        %masked_cummax3A_624 = arith.xori %select_n3A_620, %masked_cummax3A_623 : vector<16xi32>
        %masked_cummax3A_625 = tpu.scan <max>, %masked_cummax3A_624 masked %broadcast_in_dim3A_622 : vector<16xi32>, vector<16xi1> -> vector<16xi32>
        %masked_cummax3A_626 = arith.xori %masked_cummax3A_625, %masked_cummax3A_623 : vector<16xi32>
        %sub3A_627 = arith.subi %iota3A, %masked_cummax3A_626 : vector<16xi32>
        %gather3A_628 = tpu.vector_load_idx %arg13[%masked_sort3A_601] : memref<16xi32, #tpu.memory_space<vmem>>[vector<16xi32>], vector<16xi32>,
        %add3A_629 = arith.addi %gather3A_628, %sub3A_627 : vector<16xi32>
        %add3A_630 = vector.broadcast %mul3A_590 : i32 to vector<16xi32>
        %add3A_631 = arith.addi %add3A_630, %masked_sort3A_600 : vector<16xi32>
        %shift_right_logical3A = arith.constant 1 : i32
        %shift_right_logical3A_632 = vector.broadcast %shift_right_logical3A : i32 to vector<16xi32>
        %shift_right_logical3A_633 = arith.shrui %add3A_631, %shift_right_logical3A_632 : vector<16xi32>
        %lt3A_634 = arith.constant 0 : i32
        %lt3A_635 = vector.broadcast %lt3A_634 : i32 to vector<16xi32>
        %lt3A_636 = arith.cmpi slt, %masked_sort3A_600, %lt3A_635 : vector<16xi32>
        %add3A_637 = arith.constant 16 : i32
        %add3A_638 = vector.broadcast %add3A_637 : i32 to vector<16xi32>
        %add3A_639 = arith.addi %masked_sort3A_600, %add3A_638 : vector<16xi32>
        %select_n3A_640 = arith.select %lt3A_636, %add3A_639, %masked_sort3A_600 : vector<16xi1>, vector<16xi32>
        %broadcast_in_dim3A_641 = vector.shape_cast %select_n3A_640 : vector<16xi32> to vector<16x1xi32>
        %gather3A_642 = vector.shape_cast %broadcast_in_dim3A_641 : vector<16x1xi32> to vector<16xi32>
        %gather3A_643 = tpu.dynamic_gather %get3A_594[%gather3A_642] in [0] : vector<16xf32>, vector<16xi32> -> vector<16xf32>
        tpu.vector_store_idx %arg14[%add3A_629], %shift_right_logical3A_633 : memref<5120xi32, #tpu.memory_space<vmem>>[vector<16xi32>], vector<16xi32>,
        %and3A_644 = arith.constant 1 : i32
        %and3A_645 = vector.broadcast %and3A_644 : i32 to vector<16xi32>
        %and3A_646 = arith.andi %add3A_631, %and3A_645 : vector<16xi32>
        %mul3A_647 = arith.constant 2048 : i32
        %mul3A_648 = vector.broadcast %mul3A_647 : i32 to vector<16xi32>
        %mul3A_649 = arith.muli %and3A_646, %mul3A_648 : vector<16xi32>
        %add3A_650 = arith.addi %mul3A_649, %shift_right_logical3A_633 : vector<16xi32>
        tpu.vector_store_idx %arg15[%add3A_629], %add3A_650 : memref<5120xi32, #tpu.memory_space<vmem>>[vector<16xi32>], vector<16xi32>,
        tpu.vector_store_idx %arg16[%add3A_629], %gather3A_643 : memref<5120xf32, #tpu.memory_space<vmem>>[vector<16xi32>], vector<16xf32>,
        %add3A_651 = arith.constant 1 : i32
        %add3A_652 = vector.broadcast %add3A_651 : i32 to vector<16xi32>
        %add3A_653 = arith.addi %iota3A, %add3A_652 : vector<16xi32>
        %min3A_654 = arith.constant 15 : i32
        %min3A_655 = vector.broadcast %min3A_654 : i32 to vector<16xi32>
        %min3A_656 = arith.minsi %add3A_653, %min3A_655 : vector<16xi32>
        %lt3A_657 = arith.constant 0 : i32
        %lt3A_658 = vector.broadcast %lt3A_657 : i32 to vector<16xi32>
        %lt3A_659 = arith.cmpi slt, %min3A_656, %lt3A_658 : vector<16xi32>
        %add3A_660 = arith.constant 16 : i32
        %add3A_661 = vector.broadcast %add3A_660 : i32 to vector<16xi32>
        %add3A_662 = arith.addi %min3A_656, %add3A_661 : vector<16xi32>
        %select_n3A_663 = arith.select %lt3A_659, %add3A_662, %min3A_656 : vector<16xi1>, vector<16xi32>
        %broadcast_in_dim3A_664 = vector.shape_cast %select_n3A_663 : vector<16xi32> to vector<16x1xi32>
        %gather3A_665 = vector.shape_cast %broadcast_in_dim3A_664 : vector<16x1xi32> to vector<16xi32>
        %gather3A_666 = tpu.dynamic_gather %masked_sort3A_601[%gather3A_665] in [0] : vector<16xi32>, vector<16xi32> -> vector<16xi32>
        %eq3A_667 = arith.constant 15 : i32
        %eq3A_668 = vector.broadcast %eq3A_667 : i32 to vector<16xi32>
        %eq3A_669 = arith.cmpi eq, %iota3A, %eq3A_668 : vector<16xi32>
        %ne3A_670 = arith.cmpi ne, %masked_sort3A_601, %gather3A_666 : vector<16xi32>
        %or3A_671 = arith.ori %eq3A_669, %ne3A_670 : vector<16xi1>
        %add3A_672 = arith.constant 1 : i32
        %add3A_673 = vector.broadcast %add3A_672 : i32 to vector<16xi32>
        %add3A_674 = arith.addi %add3A_629, %add3A_673 : vector<16xi32>
        tpu.vector_store_idx %arg13[%masked_sort3A_601], %add3A_674 masked %or3A_671 : memref<16xi32, #tpu.memory_space<vmem>>[vector<16xi32>], vector<16xi32>, vector<16xi1>
      }
      %scan3A_587 = arith.constant 256 : i32
      "tpu.region"() ({
        %run_scoped3A = tpu.sem_alloc : memref<!tpu.dma_semaphore, #tpu.memory_space<semaphore_mem>>
        tpu.enqueue_dma source(%arg14 : memref<5120xi32, #tpu.memory_space<vmem>>) target(%arg5 : memref<5120xi32, #tpu.memory_space<hbm>>) target_semaphore(%run_scoped3A : memref<!tpu.dma_semaphore, #tpu.memory_space<semaphore_mem>>)
        tpu.wait_dma2 semaphore(%run_scoped3A : memref<!tpu.dma_semaphore, #tpu.memory_space<semaphore_mem>>) src(%arg14 : memref<5120xi32, #tpu.memory_space<vmem>>) dst(%arg5 : memref<5120xi32, #tpu.memory_space<hbm>>)
        tpu.yield
      }) : () -> ()
      "tpu.region"() ({
        %run_scoped3A = tpu.sem_alloc : memref<!tpu.dma_semaphore, #tpu.memory_space<semaphore_mem>>
        tpu.enqueue_dma source(%arg15 : memref<5120xi32, #tpu.memory_space<vmem>>) target(%arg6 : memref<5120xi32, #tpu.memory_space<hbm>>) target_semaphore(%run_scoped3A : memref<!tpu.dma_semaphore, #tpu.memory_space<semaphore_mem>>)
        tpu.wait_dma2 semaphore(%run_scoped3A : memref<!tpu.dma_semaphore, #tpu.memory_space<semaphore_mem>>) src(%arg15 : memref<5120xi32, #tpu.memory_space<vmem>>) dst(%arg6 : memref<5120xi32, #tpu.memory_space<hbm>>)
        tpu.yield
      }) : () -> ()
      "tpu.region"() ({
        %run_scoped3A = tpu.sem_alloc : memref<!tpu.dma_semaphore, #tpu.memory_space<semaphore_mem>>
        tpu.enqueue_dma source(%arg16 : memref<5120xf32, #tpu.memory_space<vmem>>) target(%arg7 : memref<5120xf32, #tpu.memory_space<hbm>>) target_semaphore(%run_scoped3A : memref<!tpu.dma_semaphore, #tpu.memory_space<semaphore_mem>>)
        tpu.wait_dma2 semaphore(%run_scoped3A : memref<!tpu.dma_semaphore, #tpu.memory_space<semaphore_mem>>) src(%arg16 : memref<5120xf32, #tpu.memory_space<vmem>>) dst(%arg7 : memref<5120xf32, #tpu.memory_space<hbm>>)
        tpu.yield
      }) : () -> ()
      "tpu.region"() ({
        %run_scoped3A = tpu.sem_alloc : memref<!tpu.dma_semaphore, #tpu.memory_space<semaphore_mem>>
        tpu.enqueue_dma source(%arg17 : memref<48xi32, #tpu.memory_space<vmem>>) target(%arg8 : memref<48xi32, #tpu.memory_space<hbm>>) target_semaphore(%run_scoped3A : memref<!tpu.dma_semaphore, #tpu.memory_space<semaphore_mem>>)
        tpu.wait_dma2 semaphore(%run_scoped3A : memref<!tpu.dma_semaphore, #tpu.memory_space<semaphore_mem>>) src(%arg17 : memref<48xi32, #tpu.memory_space<vmem>>) dst(%arg8 : memref<48xi32, #tpu.memory_space<hbm>>)
        tpu.yield
      }) : () -> ()
      "tpu.region"() ({
        %run_scoped3A = tpu.sem_alloc : memref<!tpu.dma_semaphore, #tpu.memory_space<semaphore_mem>>
        tpu.enqueue_dma source(%arg18 : memref<16xi32, #tpu.memory_space<vmem>>) target(%arg9 : memref<16xi32, #tpu.memory_space<hbm>>) target_semaphore(%run_scoped3A : memref<!tpu.dma_semaphore, #tpu.memory_space<semaphore_mem>>)
        tpu.wait_dma2 semaphore(%run_scoped3A : memref<!tpu.dma_semaphore, #tpu.memory_space<semaphore_mem>>) src(%arg18 : memref<16xi32, #tpu.memory_space<vmem>>) dst(%arg9 : memref<16xi32, #tpu.memory_space<hbm>>)
        tpu.yield
      }) : () -> ()
    } else {
    }
    return
  }
}

#map = affine_map<(d0, d1) -> (0, 0)>
#map1 = affine_map<(d0, d1) -> (0)>
module attributes {stable_mosaic.version = 14 : i64} {
  func.func @_scatter_body(%arg0: i32, %arg1: i32, %arg2: memref<5120x512xi32, #tpu.memory_space<hbm>>, %arg3: memref<5120xi32, #tpu.memory_space<hbm>>, %arg4: memref<5120x512xi32, #tpu.memory_space<hbm>>, %arg5: memref<160xi32, #tpu.memory_space<vmem>>, %arg6: memref<160x512xi32, #tpu.memory_space<vmem>>, %arg7: memref<!tpu.dma_semaphore, #tpu.memory_space<semaphore_mem>>) attributes {dimension_semantics = [#tpu.dimension_semantics<core_parallel>, #tpu.dimension_semantics<subcore_parallel>], iteration_bounds = array<i64: 2, 16>, scalar_prefetch = 0 : i64, scratch_operands = 3 : i64, tpu.core_type = #tpu.core_type<sc_vector_subcore>, window_params = [{transform_indices = #map}, {transform_indices = #map1}, {transform_indices = #map}]} {
    %mul3A = arith.constant 2 : i32
    %mul3A_0 = arith.muli %arg1, %mul3A : i32
    %add3A = arith.addi %mul3A_0, %arg0 : i32
    %mul3A_1 = arith.constant 160 : i32
    %mul3A_2 = arith.muli %add3A, %mul3A_1 : i32
    "tpu.region"() ({
      %run_scoped3A = tpu.sem_alloc : memref<!tpu.dma_semaphore, #tpu.memory_space<semaphore_mem>>
      %dma_start3A_7 = tpu.memref_slice %arg3[%mul3A_2] : memref<5120xi32, #tpu.memory_space<hbm>> -> memref<160xi32, #tpu.memory_space<hbm>>
      %dma_start3A_8 = tpu.memref_slice %arg3[%mul3A_2] : memref<5120xi32, #tpu.memory_space<hbm>> -> memref<160xi32, #tpu.memory_space<hbm>>
      tpu.enqueue_dma source(%dma_start3A_8 : memref<160xi32, #tpu.memory_space<hbm>>) target(%arg5 : memref<160xi32, #tpu.memory_space<vmem>>) target_semaphore(%run_scoped3A : memref<!tpu.dma_semaphore, #tpu.memory_space<semaphore_mem>>)
      %dma_wait3A_9 = tpu.memref_slice %arg3[%mul3A_2] : memref<5120xi32, #tpu.memory_space<hbm>> -> memref<160xi32, #tpu.memory_space<hbm>>
      %dma_wait3A_10 = tpu.memref_slice %arg3[%mul3A_2] : memref<5120xi32, #tpu.memory_space<hbm>> -> memref<160xi32, #tpu.memory_space<hbm>>
      tpu.wait_dma2 semaphore(%run_scoped3A : memref<!tpu.dma_semaphore, #tpu.memory_space<semaphore_mem>>) src(%dma_wait3A_10 : memref<160xi32, #tpu.memory_space<hbm>>) dst(%arg5 : memref<160xi32, #tpu.memory_space<vmem>>)
      tpu.yield
    }) : () -> ()
    "tpu.region"() ({
      %run_scoped3A = tpu.sem_alloc : memref<!tpu.dma_semaphore, #tpu.memory_space<semaphore_mem>>
      %dma_start3A_7 = arith.constant 0 : i32
      %dma_start3A_8 = tpu.memref_slice %arg2[%mul3A_2, %dma_start3A_7] : memref<5120x512xi32, #tpu.memory_space<hbm>> -> memref<160x512xi32, #tpu.memory_space<hbm>>
      %dma_start3A_9 = arith.constant 0 : i32
      %dma_start3A_10 = tpu.memref_slice %arg2[%mul3A_2, %dma_start3A_9] : memref<5120x512xi32, #tpu.memory_space<hbm>> -> memref<160x512xi32, #tpu.memory_space<hbm>>
      tpu.enqueue_dma source(%dma_start3A_10 : memref<160x512xi32, #tpu.memory_space<hbm>>) target(%arg6 : memref<160x512xi32, #tpu.memory_space<vmem>>) target_semaphore(%run_scoped3A : memref<!tpu.dma_semaphore, #tpu.memory_space<semaphore_mem>>)
      %dma_wait3A_11 = arith.constant 0 : i32
      %dma_wait3A_12 = tpu.memref_slice %arg2[%mul3A_2, %dma_wait3A_11] : memref<5120x512xi32, #tpu.memory_space<hbm>> -> memref<160x512xi32, #tpu.memory_space<hbm>>
      %dma_wait3A_13 = arith.constant 0 : i32
      %dma_wait3A_14 = tpu.memref_slice %arg2[%mul3A_2, %dma_wait3A_13] : memref<5120x512xi32, #tpu.memory_space<hbm>> -> memref<160x512xi32, #tpu.memory_space<hbm>>
      tpu.wait_dma2 semaphore(%run_scoped3A : memref<!tpu.dma_semaphore, #tpu.memory_space<semaphore_mem>>) src(%dma_wait3A_14 : memref<160x512xi32, #tpu.memory_space<hbm>>) dst(%arg6 : memref<160x512xi32, #tpu.memory_space<vmem>>)
      tpu.yield
    }) : () -> ()
    %dma_start3A = arith.constant 0 : i32
    %dma_start3A_3 = arith.constant 0 : i32
    %dma_start3A_4 = tpu.memref_slice %arg4[%dma_start3A, %dma_start3A_3] : memref<5120x512xi32, #tpu.memory_space<hbm>> -> memref<5120x512xi32, #tpu.memory_space<hbm>>
    tpu.enqueue_indirect_dma source(%arg6 : memref<160x512xi32, #tpu.memory_space<vmem>>) target(%dma_start3A_4 : memref<5120x512xi32, #tpu.memory_space<hbm>>) offsets(%arg5 : memref<160xi32, #tpu.memory_space<vmem>>) semaphore(%arg7 : memref<!tpu.dma_semaphore, #tpu.memory_space<semaphore_mem>>)
    %dma_wait3A = arith.constant 0 : i32
    %dma_wait3A_5 = arith.constant 0 : i32
    %dma_wait3A_6 = tpu.memref_slice %arg4[%dma_wait3A, %dma_wait3A_5] : memref<5120x512xi32, #tpu.memory_space<hbm>> -> memref<5120x512xi32, #tpu.memory_space<hbm>>
    tpu.wait_indirect_dma semaphore(%arg7 : memref<!tpu.dma_semaphore, #tpu.memory_space<semaphore_mem>>) src(%arg6 : memref<160x512xi32, #tpu.memory_space<vmem>>) dst(%dma_wait3A_6 : memref<5120x512xi32, #tpu.memory_space<hbm>>)
    return
  }
}

#map = affine_map<(d0, d1) -> (0, 0)>
#map1 = affine_map<(d0, d1) -> (0)>
module attributes {stable_mosaic.version = 14 : i64} {
  func.func @_gather_body(%arg0: i32, %arg1: i32, %arg2: memref<2048x512xi32, #tpu.memory_space<hbm>>, %arg3: memref<5120xi32, #tpu.memory_space<hbm>>, %arg4: memref<5120x512xi32, #tpu.memory_space<hbm>>, %arg5: memref<160xi32, #tpu.memory_space<vmem>>, %arg6: memref<160x512xi32, #tpu.memory_space<vmem>>, %arg7: memref<!tpu.dma_semaphore, #tpu.memory_space<semaphore_mem>>) attributes {dimension_semantics = [#tpu.dimension_semantics<core_parallel>, #tpu.dimension_semantics<subcore_parallel>], iteration_bounds = array<i64: 2, 16>, scalar_prefetch = 0 : i64, scratch_operands = 3 : i64, tpu.core_type = #tpu.core_type<sc_vector_subcore>, window_params = [{transform_indices = #map}, {transform_indices = #map1}, {transform_indices = #map}]} {
    %mul3A = arith.constant 2 : i32
    %mul3A_0 = arith.muli %arg1, %mul3A : i32
    %add3A = arith.addi %mul3A_0, %arg0 : i32
    %mul3A_1 = arith.constant 160 : i32
    %mul3A_2 = arith.muli %add3A, %mul3A_1 : i32
    "tpu.region"() ({
      %run_scoped3A = tpu.sem_alloc : memref<!tpu.dma_semaphore, #tpu.memory_space<semaphore_mem>>
      %dma_start3A_7 = tpu.memref_slice %arg3[%mul3A_2] : memref<5120xi32, #tpu.memory_space<hbm>> -> memref<160xi32, #tpu.memory_space<hbm>>
      %dma_start3A_8 = tpu.memref_slice %arg3[%mul3A_2] : memref<5120xi32, #tpu.memory_space<hbm>> -> memref<160xi32, #tpu.memory_space<hbm>>
      tpu.enqueue_dma source(%dma_start3A_8 : memref<160xi32, #tpu.memory_space<hbm>>) target(%arg5 : memref<160xi32, #tpu.memory_space<vmem>>) target_semaphore(%run_scoped3A : memref<!tpu.dma_semaphore, #tpu.memory_space<semaphore_mem>>)
      %dma_wait3A_9 = tpu.memref_slice %arg3[%mul3A_2] : memref<5120xi32, #tpu.memory_space<hbm>> -> memref<160xi32, #tpu.memory_space<hbm>>
      %dma_wait3A_10 = tpu.memref_slice %arg3[%mul3A_2] : memref<5120xi32, #tpu.memory_space<hbm>> -> memref<160xi32, #tpu.memory_space<hbm>>
      tpu.wait_dma2 semaphore(%run_scoped3A : memref<!tpu.dma_semaphore, #tpu.memory_space<semaphore_mem>>) src(%dma_wait3A_10 : memref<160xi32, #tpu.memory_space<hbm>>) dst(%arg5 : memref<160xi32, #tpu.memory_space<vmem>>)
      tpu.yield
    }) : () -> ()
    %dma_start3A = arith.constant 0 : i32
    %dma_start3A_3 = arith.constant 0 : i32
    %dma_start3A_4 = tpu.memref_slice %arg2[%dma_start3A, %dma_start3A_3] : memref<2048x512xi32, #tpu.memory_space<hbm>> -> memref<2048x512xi32, #tpu.memory_space<hbm>>
    tpu.enqueue_indirect_dma source(%dma_start3A_4 : memref<2048x512xi32, #tpu.memory_space<hbm>>) target(%arg6 : memref<160x512xi32, #tpu.memory_space<vmem>>) offsets(%arg5 : memref<160xi32, #tpu.memory_space<vmem>>) semaphore(%arg7 : memref<!tpu.dma_semaphore, #tpu.memory_space<semaphore_mem>>)
    %dma_wait3A = arith.constant 0 : i32
    %dma_wait3A_5 = arith.constant 0 : i32
    %dma_wait3A_6 = tpu.memref_slice %arg2[%dma_wait3A, %dma_wait3A_5] : memref<2048x512xi32, #tpu.memory_space<hbm>> -> memref<2048x512xi32, #tpu.memory_space<hbm>>
    tpu.wait_indirect_dma semaphore(%arg7 : memref<!tpu.dma_semaphore, #tpu.memory_space<semaphore_mem>>) src(%dma_wait3A_6 : memref<2048x512xi32, #tpu.memory_space<hbm>>) dst(%arg6 : memref<160x512xi32, #tpu.memory_space<vmem>>)
    "tpu.region"() ({
      %run_scoped3A = tpu.sem_alloc : memref<!tpu.dma_semaphore, #tpu.memory_space<semaphore_mem>>
      %dma_start3A_7 = arith.constant 0 : i32
      %dma_start3A_8 = tpu.memref_slice %arg4[%mul3A_2, %dma_start3A_7] : memref<5120x512xi32, #tpu.memory_space<hbm>> -> memref<160x512xi32, #tpu.memory_space<hbm>>
      %dma_start3A_9 = arith.constant 0 : i32
      %dma_start3A_10 = tpu.memref_slice %arg4[%mul3A_2, %dma_start3A_9] : memref<5120x512xi32, #tpu.memory_space<hbm>> -> memref<160x512xi32, #tpu.memory_space<hbm>>
      tpu.enqueue_dma source(%arg6 : memref<160x512xi32, #tpu.memory_space<vmem>>) target(%dma_start3A_10 : memref<160x512xi32, #tpu.memory_space<hbm>>) target_semaphore(%run_scoped3A : memref<!tpu.dma_semaphore, #tpu.memory_space<semaphore_mem>>)
      %dma_wait3A_11 = arith.constant 0 : i32
      %dma_wait3A_12 = tpu.memref_slice %arg4[%mul3A_2, %dma_wait3A_11] : memref<5120x512xi32, #tpu.memory_space<hbm>> -> memref<160x512xi32, #tpu.memory_space<hbm>>
      %dma_wait3A_13 = arith.constant 0 : i32
      %dma_wait3A_14 = tpu.memref_slice %arg4[%mul3A_2, %dma_wait3A_13] : memref<5120x512xi32, #tpu.memory_space<hbm>> -> memref<160x512xi32, #tpu.memory_space<hbm>>
      tpu.wait_dma2 semaphore(%run_scoped3A : memref<!tpu.dma_semaphore, #tpu.memory_space<semaphore_mem>>) src(%arg6 : memref<160x512xi32, #tpu.memory_space<vmem>>) dst(%dma_wait3A_14 : memref<160x512xi32, #tpu.memory_space<hbm>>)
      tpu.yield
    }) : () -> ()
    return
  }
}

module attributes {stable_mosaic.version = 14 : i64} {
  func.func @_route_body(%arg0: i32, %arg1: memref<256x1024xf32, #tpu.memory_space<vmem>>, %arg2: memref<1024x8xf32, #tpu.memory_space<vmem>>, %arg3: memref<256x2xi32, #tpu.memory_space<vmem>>, %arg4: memref<256x2xf32, #tpu.memory_space<vmem>>, %arg5: memref<1x16xi32, #tpu.memory_space<vmem>>, %arg6: memref<256x512xi32, #tpu.memory_space<vmem>>) attributes {dimension_semantics = [#tpu.dimension_semantics<arbitrary>], iteration_bounds = array<i64: 8>, scalar_prefetch = 0 : i64, scratch_operands = 0 : i64, tpu.core_type = #tpu.core_type<tc>, window_params = [{transform_indices = @transform_0, window_bounds = array<i64: 256, 1024>}, {pipeline_mode = #tpu.pipeline_mode<synchronous>, transform_indices = @transform_1, window_bounds = array<i64: 1024, 8>}, {transform_indices = @transform_2, window_bounds = array<i64: 256, 2>}, {transform_indices = @transform_3, window_bounds = array<i64: 256, 2>}, {pipeline_mode = #tpu.pipeline_mode<synchronous>, transform_indices = @transform_4, window_bounds = array<i64: 1, 16>}, {transform_indices = @transform_5, window_bounds = array<i64: 256, 512>}]} {
    %get3A = arith.constant 0 : index
    %get3A_0 = arith.constant 0 : index
    %get3A_1 = vector.load %arg1[%get3A, %get3A_0] : memref<256x1024xf32, #tpu.memory_space<vmem>>, vector<256x1024xf32>
    %get3A_2 = arith.constant 0 : index
    %get3A_3 = arith.constant 0 : index
    %get3A_4 = vector.load %arg2[%get3A_2, %get3A_3] : memref<1024x8xf32, #tpu.memory_space<vmem>>, vector<1024x8xf32>
    %dot_general3A = arith.constant dense<0.000000e+00> : vector<256x8xf32>
    %dot_general3A_5 = tpu.matmul %get3A_1, %get3A_4, %dot_general3A {dimension_numbers = #tpu.dot_dimension_numbers<[1], [0], [0], [1], [0, 0, 1, 1], [], []>, transpose_lhs_hint = false} : vector<256x1024xf32>, vector<1024x8xf32>, vector<256x8xf32> -> vector<256x8xf32>
    %custom_jvp_call3A = arith.constant 0.000000e+00 : f32
    %max3A = vector.broadcast %custom_jvp_call3A : f32 to vector<256x8xf32>
    %max3A_6 = arith.maximumf %dot_general3A_5, %max3A : vector<256x8xf32>
    %sub3A = vector.broadcast %custom_jvp_call3A : f32 to vector<256x8xf32>
    %sub3A_7 = arith.subf %dot_general3A_5, %sub3A : vector<256x8xf32>
    %ne3A = arith.cmpf one, %sub3A_7, %sub3A_7 : vector<256x8xf32>
    %add3A = vector.broadcast %custom_jvp_call3A : f32 to vector<256x8xf32>
    %add3A_8 = arith.addf %dot_general3A_5, %add3A : vector<256x8xf32>
    %abs3A = math.absf %sub3A_7 : vector<256x8xf32>
    %neg3A = arith.constant 0.000000e+00 : f32
    %neg3A_9 = vector.broadcast %neg3A : f32 to vector<256x8xf32>
    %neg3A_10 = arith.subf %neg3A_9, %abs3A : vector<256x8xf32>
    %exp3A = math.exp %neg3A_10 : vector<256x8xf32>
    %log1p3A = math.log1p %exp3A : vector<256x8xf32>
    %add3A_11 = arith.addf %max3A_6, %log1p3A : vector<256x8xf32>
    %select_n3A = arith.select %ne3A, %add3A_8, %add3A_11 : vector<256x8xi1>, vector<256x8xf32>
    %sqrt3A = math.sqrt %select_n3A : vector<256x8xf32>
    %iota3A = tpu.iota {dimensions = array<i32: 1>} : vector<256x8xi32>
    %reduce_max3A = arith.constant dense<0xFF800000> : vector<256xf32>
    %reduce_max3A_12 = vector.multi_reduction <maximumf>, %sqrt3A, %reduce_max3A [1] : vector<256x8xf32> to vector<256xf32>
    %broadcast_in_dim3A = vector.shape_cast %reduce_max3A_12 : vector<256xf32> to vector<256x1xf32>
    %eq3A = vector.broadcast %broadcast_in_dim3A : vector<256x1xf32> to vector<256x8xf32>
    %eq3A_13 = arith.cmpf oeq, %sqrt3A, %eq3A : vector<256x8xf32>
    %jit3A = arith.constant 8 : i32
    %broadcast_in_dim3A_14 = vector.broadcast %jit3A : i32 to vector<256x8xi32>
    %select_n3A_15 = arith.select %eq3A_13, %iota3A, %broadcast_in_dim3A_14 : vector<256x8xi1>, vector<256x8xi32>
    %reduce_min3A = arith.constant dense<2147483647> : vector<256xi32>
    %reduce_min3A_16 = vector.multi_reduction <minsi>, %select_n3A_15, %reduce_min3A [1] : vector<256x8xi32> to vector<256xi32>
    %broadcast_in_dim3A_17 = vector.shape_cast %reduce_min3A_16 : vector<256xi32> to vector<256x1xi32>
    %eq3A_18 = vector.broadcast %broadcast_in_dim3A_17 : vector<256x1xi32> to vector<256x8xi32>
    %eq3A_19 = arith.cmpi eq, %iota3A, %eq3A_18 : vector<256x8xi32>
    %jit3A_20 = arith.constant 0xFF800000 : f32
    %broadcast_in_dim3A_21 = vector.broadcast %jit3A_20 : f32 to vector<256x8xf32>
    %select_n3A_22 = arith.select %eq3A_19, %broadcast_in_dim3A_21, %sqrt3A : vector<256x8xi1>, vector<256x8xf32>
    %reduce_max3A_23 = arith.constant dense<0xFF800000> : vector<256xf32>
    %reduce_max3A_24 = vector.multi_reduction <maximumf>, %select_n3A_22, %reduce_max3A_23 [1] : vector<256x8xf32> to vector<256xf32>
    %broadcast_in_dim3A_25 = vector.shape_cast %reduce_max3A_24 : vector<256xf32> to vector<256x1xf32>
    %eq3A_26 = vector.broadcast %broadcast_in_dim3A_25 : vector<256x1xf32> to vector<256x8xf32>
    %eq3A_27 = arith.cmpf oeq, %select_n3A_22, %eq3A_26 : vector<256x8xf32>
    %jit3A_28 = arith.constant 8 : i32
    %broadcast_in_dim3A_29 = vector.broadcast %jit3A_28 : i32 to vector<256x8xi32>
    %select_n3A_30 = arith.select %eq3A_27, %iota3A, %broadcast_in_dim3A_29 : vector<256x8xi1>, vector<256x8xi32>
    %reduce_min3A_31 = arith.constant dense<2147483647> : vector<256xi32>
    %reduce_min3A_32 = vector.multi_reduction <minsi>, %select_n3A_30, %reduce_min3A_31 [1] : vector<256x8xi32> to vector<256xi32>
    %broadcast_in_dim3A_33 = vector.shape_cast %reduce_min3A_32 : vector<256xi32> to vector<256x1xi32>
    %eq3A_34 = vector.broadcast %broadcast_in_dim3A_33 : vector<256x1xi32> to vector<256x8xi32>
    %eq3A_35 = arith.cmpi eq, %iota3A, %eq3A_34 : vector<256x8xi32>
    %add3A_36 = arith.addf %broadcast_in_dim3A, %broadcast_in_dim3A_25 : vector<256x1xf32>
    %max3A_37 = arith.constant 9.99999997E-7 : f32
    %max3A_38 = vector.broadcast %max3A_37 : f32 to vector<256x1xf32>
    %max3A_39 = arith.maximumf %add3A_36, %max3A_38 : vector<256x1xf32>
    %concatenate3A = tpu.concatenate %broadcast_in_dim3A_17, %broadcast_in_dim3A_33 in 1 : vector<256x1xi32>, vector<256x1xi32> -> vector<256x2xi32>
    %swap3A = arith.constant 0 : index
    %swap3A_40 = arith.constant 0 : index
    %swap3A_41 = vector.load %arg3[%swap3A, %swap3A_40] : memref<256x2xi32, #tpu.memory_space<vmem>>, vector<256x2xi32>
    tpu.vector_store %arg3[%swap3A, %swap3A_40], %concatenate3A {strides = array<i32>} : memref<256x2xi32, #tpu.memory_space<vmem>>, vector<256x2xi32>,
    %div3A = arith.divf %broadcast_in_dim3A, %max3A_39 : vector<256x1xf32>
    %div3A_42 = arith.divf %broadcast_in_dim3A_25, %max3A_39 : vector<256x1xf32>
    %concatenate3A_43 = tpu.concatenate %div3A, %div3A_42 in 1 : vector<256x1xf32>, vector<256x1xf32> -> vector<256x2xf32>
    %swap3A_44 = arith.constant 0 : index
    %swap3A_45 = arith.constant 0 : index
    %swap3A_46 = vector.load %arg4[%swap3A_44, %swap3A_45] : memref<256x2xf32, #tpu.memory_space<vmem>>, vector<256x2xf32>
    tpu.vector_store %arg4[%swap3A_44, %swap3A_45], %concatenate3A_43 {strides = array<i32>} : memref<256x2xf32, #tpu.memory_space<vmem>>, vector<256x2xf32>,
    %convert_element_type3A = arith.extui %eq3A_19 : vector<256x8xi1> to vector<256x8xi32>
    %reduce_sum3A = arith.constant dense<0> : vector<8xi32>
    %reduce_sum3A_47 = vector.multi_reduction <add>, %convert_element_type3A, %reduce_sum3A [0] : vector<256x8xi32> to vector<8xi32>
    %broadcast_in_dim3A_48 = vector.shape_cast %reduce_sum3A_47 : vector<8xi32> to vector<1x8xi32>
    %convert_element_type3A_49 = arith.extui %eq3A_35 : vector<256x8xi1> to vector<256x8xi32>
    %reduce_sum3A_50 = arith.constant dense<0> : vector<8xi32>
    %reduce_sum3A_51 = vector.multi_reduction <add>, %convert_element_type3A_49, %reduce_sum3A_50 [0] : vector<256x8xi32> to vector<8xi32>
    %broadcast_in_dim3A_52 = vector.shape_cast %reduce_sum3A_51 : vector<8xi32> to vector<1x8xi32>
    %add3A_53 = arith.addi %broadcast_in_dim3A_48, %broadcast_in_dim3A_52 : vector<1x8xi32>
    %broadcast_in_dim3A_54 = arith.constant 0 : i32
    %broadcast_in_dim3A_55 = vector.broadcast %broadcast_in_dim3A_54 : i32 to vector<1x8xi32>
    %concatenate3A_56 = tpu.concatenate %add3A_53, %broadcast_in_dim3A_55 in 1 : vector<1x8xi32>, vector<1x8xi32> -> vector<1x16xi32>
    %eq3A_57 = arith.constant 0 : i32
    %eq3A_58 = arith.cmpi eq, %arg0, %eq3A_57 : i32
    %convert_element_type3A_59 = arith.extui %eq3A_58 : i1 to i32
    %cond3A = arith.constant 0 : i32
    %cond3A_60 = arith.cmpi ne, %convert_element_type3A_59, %cond3A : i32
    scf.if %cond3A_60 {
      %swap3A_78 = arith.constant 0 : index
      %swap3A_79 = arith.constant 0 : index
      %swap3A_80 = vector.load %arg5[%swap3A_78, %swap3A_79] : memref<1x16xi32, #tpu.memory_space<vmem>>, vector<1x16xi32>
      tpu.vector_store %arg5[%swap3A_78, %swap3A_79], %concatenate3A_56 {strides = array<i32>} : memref<1x16xi32, #tpu.memory_space<vmem>>, vector<1x16xi32>,
    } else {
    }
    %ne3A_61 = arith.constant 0 : i32
    %ne3A_62 = arith.cmpi ne, %arg0, %ne3A_61 : i32
    %convert_element_type3A_63 = arith.extui %ne3A_62 : i1 to i32
    %cond3A_64 = arith.constant 0 : i32
    %cond3A_65 = arith.cmpi ne, %convert_element_type3A_63, %cond3A_64 : i32
    scf.if %cond3A_65 {
      %get3A_78 = arith.constant 0 : index
      %get3A_79 = arith.constant 0 : index
      %get3A_80 = vector.load %arg5[%get3A_78, %get3A_79] : memref<1x16xi32, #tpu.memory_space<vmem>>, vector<1x16xi32>
      %add3A_81 = arith.addi %get3A_80, %concatenate3A_56 : vector<1x16xi32>
      %swap3A_82 = arith.constant 0 : index
      %swap3A_83 = arith.constant 0 : index
      %swap3A_84 = vector.load %arg5[%swap3A_82, %swap3A_83] : memref<1x16xi32, #tpu.memory_space<vmem>>, vector<1x16xi32>
      tpu.vector_store %arg5[%swap3A_82, %swap3A_83], %add3A_81 {strides = array<i32>} : memref<1x16xi32, #tpu.memory_space<vmem>>, vector<1x16xi32>,
    } else {
    }
    %slice3A = vector.extract_strided_slice %get3A_1 {offsets = [0, 0], sizes = [256, 512], strides = [1, 1]} : vector<256x1024xf32> to vector<256x512xf32>
    %convert_element_type3A_66 = arith.truncf %slice3A : vector<256x512xf32> to vector<256x512xbf16>
    %bitcast_convert_type3A = tpu.bitcast %convert_element_type3A_66 : vector<256x512xbf16> -> vector<256x512xi16>
    %slice3A_67 = vector.extract_strided_slice %get3A_1 {offsets = [0, 512], sizes = [256, 512], strides = [1, 1]} : vector<256x1024xf32> to vector<256x512xf32>
    %convert_element_type3A_68 = arith.truncf %slice3A_67 : vector<256x512xf32> to vector<256x512xbf16>
    %bitcast_convert_type3A_69 = tpu.bitcast %convert_element_type3A_68 : vector<256x512xbf16> -> vector<256x512xi16>
    %convert_element_type3A_70 = arith.extui %bitcast_convert_type3A_69 : vector<256x512xi16> to vector<256x512xi32>
    %shift_left3A = arith.constant 16 : i32
    %shift_left3A_71 = vector.broadcast %shift_left3A : i32 to vector<256x512xi32>
    %shift_left3A_72 = arith.shli %convert_element_type3A_70, %shift_left3A_71 : vector<256x512xi32>
    %convert_element_type3A_73 = arith.extui %bitcast_convert_type3A : vector<256x512xi16> to vector<256x512xi32>
    %or3A = arith.ori %shift_left3A_72, %convert_element_type3A_73 : vector<256x512xi32>
    %bitcast_convert_type3A_74 = tpu.bitcast %or3A : vector<256x512xi32> -> vector<256x512xi32>
    %swap3A_75 = arith.constant 0 : index
    %swap3A_76 = arith.constant 0 : index
    %swap3A_77 = vector.load %arg6[%swap3A_75, %swap3A_76] : memref<256x512xi32, #tpu.memory_space<vmem>>, vector<256x512xi32>
    tpu.vector_store %arg6[%swap3A_75, %swap3A_76], %bitcast_convert_type3A_74 {strides = array<i32>} : memref<256x512xi32, #tpu.memory_space<vmem>>, vector<256x512xi32>,
    return
  }
  func.func @transform_0(%arg0: i32) -> (i32, i32) {
    %c0_i32 = arith.constant 0 : i32
    %c0_i32_0 = arith.constant 0 : i32
    return %arg0, %c0_i32 : i32, i32
  }
  func.func @transform_1(%arg0: i32) -> (i32, i32) {
    %c0_i32 = arith.constant 0 : i32
    %c0_i32_0 = arith.constant 0 : i32
    %c0_i32_1 = arith.constant 0 : i32
    return %c0_i32, %c0_i32_0 : i32, i32
  }
  func.func @transform_2(%arg0: i32) -> (i32, i32) {
    %c0_i32 = arith.constant 0 : i32
    %c0_i32_0 = arith.constant 0 : i32
    return %arg0, %c0_i32 : i32, i32
  }
  func.func @transform_3(%arg0: i32) -> (i32, i32) {
    %c0_i32 = arith.constant 0 : i32
    %c0_i32_0 = arith.constant 0 : i32
    return %arg0, %c0_i32 : i32, i32
  }
  func.func @transform_4(%arg0: i32) -> (i32, i32) {
    %c0_i32 = arith.constant 0 : i32
    %c0_i32_0 = arith.constant 0 : i32
    %c0_i32_1 = arith.constant 0 : i32
    return %c0_i32, %c0_i32_0 : i32, i32
  }
  func.func @transform_5(%arg0: i32) -> (i32, i32) {
    %c0_i32 = arith.constant 0 : i32
    %c0_i32_0 = arith.constant 0 : i32
    return %arg0, %c0_i32 : i32, i32
  }
}

module attributes {stable_mosaic.version = 14 : i64} {
  func.func @_ffn_body(%arg0: i32, %arg1: memref<16xi32, #tpu.memory_space<smem>>, %arg2: memref<48xi32, #tpu.memory_space<smem>>, %arg3: memref<128x512xi32, #tpu.memory_space<vmem>>, %arg4: memref<1x1024x512xf32, #tpu.memory_space<vmem>>, %arg5: memref<1x1024x512xf32, #tpu.memory_space<vmem>>, %arg6: memref<1x512x1024xf32, #tpu.memory_space<vmem>>, %arg7: memref<128x1xf32, #tpu.memory_space<vmem>>, %arg8: memref<128x512xi32, #tpu.memory_space<vmem>>) attributes {dimension_semantics = [#tpu.dimension_semantics<arbitrary>], iteration_bounds = array<i64: 40>, scalar_prefetch = 2 : i64, scratch_operands = 0 : i64, tpu.core_type = #tpu.core_type<tc>, window_params = [{transform_indices = @transform_0, window_bounds = array<i64: 128, 512>}, {transform_indices = @transform_1, window_bounds = array<i64: 1, 1024, 512>}, {transform_indices = @transform_2, window_bounds = array<i64: 1, 1024, 512>}, {transform_indices = @transform_3, window_bounds = array<i64: 1, 512, 1024>}, {transform_indices = @transform_4, window_bounds = array<i64: 128, 1>}, {transform_indices = @transform_5, window_bounds = array<i64: 128, 512>}]} {
    %get3A = arith.constant 0 : index
    %get3A_0 = memref.load %arg1[%get3A] : memref<16xi32, #tpu.memory_space<smem>>
    %lt3A = arith.cmpi slt, %arg0, %get3A_0 : i32
    %convert_element_type3A = arith.extui %lt3A : i1 to i32
    %cond3A = arith.constant 0 : i32
    %cond3A_1 = arith.cmpi ne, %convert_element_type3A, %cond3A : i32
    scf.if %cond3A_1 {
      %get3A_2 = arith.constant 0 : index
      %get3A_3 = arith.constant 0 : index
      %get3A_4 = vector.load %arg3[%get3A_2, %get3A_3] : memref<128x512xi32, #tpu.memory_space<vmem>>, vector<128x512xi32>
      %bitcast_convert_type3A = tpu.bitcast %get3A_4 : vector<128x512xi32> -> vector<128x512xi32>
      %shift_left3A = arith.constant 16 : i32
      %shift_left3A_5 = vector.broadcast %shift_left3A : i32 to vector<128x512xi32>
      %shift_left3A_6 = arith.shli %bitcast_convert_type3A, %shift_left3A_5 : vector<128x512xi32>
      %bitcast_convert_type3A_7 = tpu.bitcast %shift_left3A_6 : vector<128x512xi32> -> vector<128x512xf32>
      %and3A = arith.constant -65536 : i32
      %and3A_8 = vector.broadcast %and3A : i32 to vector<128x512xi32>
      %and3A_9 = arith.andi %bitcast_convert_type3A, %and3A_8 : vector<128x512xi32>
      %bitcast_convert_type3A_10 = tpu.bitcast %and3A_9 : vector<128x512xi32> -> vector<128x512xf32>
      %concatenate3A = tpu.concatenate %bitcast_convert_type3A_7, %bitcast_convert_type3A_10 in 1 : vector<128x512xf32>, vector<128x512xf32> -> vector<128x1024xf32>
      %get3A_11 = arith.constant 0 : index
      %get3A_12 = arith.constant 0 : index
      %get3A_13 = arith.constant 0 : index
      %get3A_14 = vector.load %arg4[%get3A_11, %get3A_12, %get3A_13] : memref<1x1024x512xf32, #tpu.memory_space<vmem>>, vector<1x1024x512xf32>
      %get3A_15 = vector.shape_cast %get3A_14 : vector<1x1024x512xf32> to vector<1024x512xf32>
      %dot_general3A = arith.constant dense<0.000000e+00> : vector<128x512xf32>
      %dot_general3A_16 = tpu.matmul %concatenate3A, %get3A_15, %dot_general3A {dimension_numbers = #tpu.dot_dimension_numbers<[1], [0], [0], [1], [0, 0, 1, 1], [], []>, transpose_lhs_hint = false} : vector<128x1024xf32>, vector<1024x512xf32>, vector<128x512xf32> -> vector<128x512xf32>
      %get3A_17 = arith.constant 0 : index
      %get3A_18 = arith.constant 0 : index
      %get3A_19 = arith.constant 0 : index
      %get3A_20 = vector.load %arg5[%get3A_17, %get3A_18, %get3A_19] : memref<1x1024x512xf32, #tpu.memory_space<vmem>>, vector<1x1024x512xf32>
      %get3A_21 = vector.shape_cast %get3A_20 : vector<1x1024x512xf32> to vector<1024x512xf32>
      %dot_general3A_22 = arith.constant dense<0.000000e+00> : vector<128x512xf32>
      %dot_general3A_23 = tpu.matmul %concatenate3A, %get3A_21, %dot_general3A_22 {dimension_numbers = #tpu.dot_dimension_numbers<[1], [0], [0], [1], [0, 0, 1, 1], [], []>, transpose_lhs_hint = false} : vector<128x1024xf32>, vector<1024x512xf32>, vector<128x512xf32> -> vector<128x512xf32>
      %min3A = arith.constant 1.000000e+01 : f32
      %min3A_24 = vector.broadcast %min3A : f32 to vector<128x512xf32>
      %min3A_25 = arith.minimumf %dot_general3A_16, %min3A_24 : vector<128x512xf32>
      %jit3A = arith.constant -1.000000e+01 : f32
      %jit3A_26 = arith.constant 1.000000e+01 : f32
      %max3A = vector.broadcast %jit3A : f32 to vector<128x512xf32>
      %max3A_27 = arith.maximumf %max3A, %dot_general3A_23 : vector<128x512xf32>
      %min3A_28 = vector.broadcast %jit3A_26 : f32 to vector<128x512xf32>
      %min3A_29 = arith.minimumf %min3A_28, %max3A_27 : vector<128x512xf32>
      %logistic3A = arith.negf %min3A_25 : vector<128x512xf32>
      %logistic3A_30 = math.exp %logistic3A : vector<128x512xf32>
      %logistic3A_31 = arith.constant 1.000000e+00 : f32
      %logistic3A_32 = vector.broadcast %logistic3A_31 : f32 to vector<128x512xf32>
      %logistic3A_33 = arith.addf %logistic3A_32, %logistic3A_30 : vector<128x512xf32>
      %logistic3A_34 = arith.divf %logistic3A_32, %logistic3A_33 : vector<128x512xf32>
      %mul3A = arith.mulf %min3A_25, %logistic3A_34 : vector<128x512xf32>
      %mul3A_35 = arith.mulf %mul3A, %min3A_29 : vector<128x512xf32>
      %get3A_36 = arith.constant 0 : index
      %get3A_37 = arith.constant 0 : index
      %get3A_38 = vector.load %arg7[%get3A_36, %get3A_37] : memref<128x1xf32, #tpu.memory_space<vmem>>, vector<128x1xf32>
      %get3A_39 = arith.constant 0 : index
      %get3A_40 = arith.constant 0 : index
      %get3A_41 = arith.constant 0 : index
      %get3A_42 = vector.load %arg6[%get3A_39, %get3A_40, %get3A_41] : memref<1x512x1024xf32, #tpu.memory_space<vmem>>, vector<1x512x1024xf32>
      %get3A_43 = vector.shape_cast %get3A_42 : vector<1x512x1024xf32> to vector<512x1024xf32>
      %dot_general3A_44 = arith.constant dense<0.000000e+00> : vector<128x1024xf32>
      %dot_general3A_45 = tpu.matmul %mul3A_35, %get3A_43, %dot_general3A_44 {dimension_numbers = #tpu.dot_dimension_numbers<[1], [0], [0], [1], [0, 0, 1, 1], [], []>, transpose_lhs_hint = false} : vector<128x512xf32>, vector<512x1024xf32>, vector<128x1024xf32> -> vector<128x1024xf32>
      %mul3A_46 = vector.broadcast %get3A_38 : vector<128x1xf32> to vector<128x1024xf32>
      %mul3A_47 = arith.mulf %mul3A_46, %dot_general3A_45 : vector<128x1024xf32>
      %slice3A = vector.extract_strided_slice %mul3A_47 {offsets = [0, 0], sizes = [128, 512], strides = [1, 1]} : vector<128x1024xf32> to vector<128x512xf32>
      %convert_element_type3A_48 = arith.truncf %slice3A : vector<128x512xf32> to vector<128x512xbf16>
      %bitcast_convert_type3A_49 = tpu.bitcast %convert_element_type3A_48 : vector<128x512xbf16> -> vector<128x512xi16>
      %slice3A_50 = vector.extract_strided_slice %mul3A_47 {offsets = [0, 512], sizes = [128, 512], strides = [1, 1]} : vector<128x1024xf32> to vector<128x512xf32>
      %convert_element_type3A_51 = arith.truncf %slice3A_50 : vector<128x512xf32> to vector<128x512xbf16>
      %bitcast_convert_type3A_52 = tpu.bitcast %convert_element_type3A_51 : vector<128x512xbf16> -> vector<128x512xi16>
      %convert_element_type3A_53 = arith.extui %bitcast_convert_type3A_52 : vector<128x512xi16> to vector<128x512xi32>
      %shift_left3A_54 = arith.constant 16 : i32
      %shift_left3A_55 = vector.broadcast %shift_left3A_54 : i32 to vector<128x512xi32>
      %shift_left3A_56 = arith.shli %convert_element_type3A_53, %shift_left3A_55 : vector<128x512xi32>
      %convert_element_type3A_57 = arith.extui %bitcast_convert_type3A_49 : vector<128x512xi16> to vector<128x512xi32>
      %or3A = arith.ori %shift_left3A_56, %convert_element_type3A_57 : vector<128x512xi32>
      %bitcast_convert_type3A_58 = tpu.bitcast %or3A : vector<128x512xi32> -> vector<128x512xi32>
      %swap3A = arith.constant 0 : index
      %swap3A_59 = arith.constant 0 : index
      %swap3A_60 = vector.load %arg8[%swap3A, %swap3A_59] : memref<128x512xi32, #tpu.memory_space<vmem>>, vector<128x512xi32>
      tpu.vector_store %arg8[%swap3A, %swap3A_59], %bitcast_convert_type3A_58 {strides = array<i32>} : memref<128x512xi32, #tpu.memory_space<vmem>>, vector<128x512xi32>,
    } else {
    }
    return
  }
  func.func @transform_0(%arg0: i32, %arg1: memref<16xi32, #tpu.memory_space<smem>>, %arg2: memref<48xi32, #tpu.memory_space<smem>>) -> (i32, i32) {
    %c0_i32 = arith.constant 0 : i32
    %c0_i32_0 = arith.constant 0 : i32
    return %arg0, %c0_i32 : i32, i32
  }
  func.func @transform_1(%arg0: i32, %arg1: memref<16xi32, #tpu.memory_space<smem>>, %arg2: memref<48xi32, #tpu.memory_space<smem>>) -> (i32, i32, i32) {
    %get3A = arith.index_cast %arg0 : i32 to index
    %get3A_0 = memref.load %arg2[%get3A] : memref<48xi32, #tpu.memory_space<smem>>
    %c0_i32 = arith.constant 0 : i32
    %c0_i32_1 = arith.constant 0 : i32
    %c0_i32_2 = arith.constant 0 : i32
    return %get3A_0, %c0_i32, %c0_i32_1 : i32, i32, i32
  }
  func.func @transform_2(%arg0: i32, %arg1: memref<16xi32, #tpu.memory_space<smem>>, %arg2: memref<48xi32, #tpu.memory_space<smem>>) -> (i32, i32, i32) {
    %get3A = arith.index_cast %arg0 : i32 to index
    %get3A_0 = memref.load %arg2[%get3A] : memref<48xi32, #tpu.memory_space<smem>>
    %c0_i32 = arith.constant 0 : i32
    %c0_i32_1 = arith.constant 0 : i32
    %c0_i32_2 = arith.constant 0 : i32
    return %get3A_0, %c0_i32, %c0_i32_1 : i32, i32, i32
  }
  func.func @transform_3(%arg0: i32, %arg1: memref<16xi32, #tpu.memory_space<smem>>, %arg2: memref<48xi32, #tpu.memory_space<smem>>) -> (i32, i32, i32) {
    %get3A = arith.index_cast %arg0 : i32 to index
    %get3A_0 = memref.load %arg2[%get3A] : memref<48xi32, #tpu.memory_space<smem>>
    %c0_i32 = arith.constant 0 : i32
    %c0_i32_1 = arith.constant 0 : i32
    %c0_i32_2 = arith.constant 0 : i32
    return %get3A_0, %c0_i32, %c0_i32_1 : i32, i32, i32
  }
  func.func @transform_4(%arg0: i32, %arg1: memref<16xi32, #tpu.memory_space<smem>>, %arg2: memref<48xi32, #tpu.memory_space<smem>>) -> (i32, i32) {
    %c0_i32 = arith.constant 0 : i32
    %c0_i32_0 = arith.constant 0 : i32
    return %arg0, %c0_i32 : i32, i32
  }
  func.func @transform_5(%arg0: i32, %arg1: memref<16xi32, #tpu.memory_space<smem>>, %arg2: memref<48xi32, #tpu.memory_space<smem>>) -> (i32, i32) {
    %c0_i32 = arith.constant 0 : i32
    %c0_i32_0 = arith.constant 0 : i32
    return %arg0, %c0_i32 : i32, i32
  }
}

module attributes {stable_mosaic.version = 14 : i64} {
  func.func @_shared_body(%arg0: i32, %arg1: memref<256x1024xf32, #tpu.memory_space<vmem>>, %arg2: memref<1024x512xf32, #tpu.memory_space<vmem>>, %arg3: memref<512x1024xf32, #tpu.memory_space<vmem>>, %arg4: memref<1024x512xf32, #tpu.memory_space<vmem>>, %arg5: memref<256x1024xf32, #tpu.memory_space<vmem>>) attributes {dimension_semantics = [#tpu.dimension_semantics<arbitrary>], iteration_bounds = array<i64: 8>, scalar_prefetch = 0 : i64, scratch_operands = 0 : i64, tpu.core_type = #tpu.core_type<tc>, window_params = [{transform_indices = @transform_0, window_bounds = array<i64: 256, 1024>}, {pipeline_mode = #tpu.pipeline_mode<synchronous>, transform_indices = @transform_1, window_bounds = array<i64: 1024, 512>}, {pipeline_mode = #tpu.pipeline_mode<synchronous>, transform_indices = @transform_2, window_bounds = array<i64: 512, 1024>}, {pipeline_mode = #tpu.pipeline_mode<synchronous>, transform_indices = @transform_3, window_bounds = array<i64: 1024, 512>}, {transform_indices = @transform_4, window_bounds = array<i64: 256, 1024>}]} {
    %get3A = arith.constant 0 : index
    %get3A_0 = arith.constant 0 : index
    %get3A_1 = vector.load %arg1[%get3A, %get3A_0] : memref<256x1024xf32, #tpu.memory_space<vmem>>, vector<256x1024xf32>
    %get3A_2 = arith.constant 0 : index
    %get3A_3 = arith.constant 0 : index
    %get3A_4 = vector.load %arg2[%get3A_2, %get3A_3] : memref<1024x512xf32, #tpu.memory_space<vmem>>, vector<1024x512xf32>
    %dot_general3A = arith.constant dense<0.000000e+00> : vector<256x512xf32>
    %dot_general3A_5 = tpu.matmul %get3A_1, %get3A_4, %dot_general3A {dimension_numbers = #tpu.dot_dimension_numbers<[1], [0], [0], [1], [0, 0, 1, 1], [], []>, transpose_lhs_hint = false} : vector<256x1024xf32>, vector<1024x512xf32>, vector<256x512xf32> -> vector<256x512xf32>
    %get3A_6 = arith.constant 0 : index
    %get3A_7 = arith.constant 0 : index
    %get3A_8 = vector.load %arg4[%get3A_6, %get3A_7] : memref<1024x512xf32, #tpu.memory_space<vmem>>, vector<1024x512xf32>
    %dot_general3A_9 = arith.constant dense<0.000000e+00> : vector<256x512xf32>
    %dot_general3A_10 = tpu.matmul %get3A_1, %get3A_8, %dot_general3A_9 {dimension_numbers = #tpu.dot_dimension_numbers<[1], [0], [0], [1], [0, 0, 1, 1], [], []>, transpose_lhs_hint = false} : vector<256x1024xf32>, vector<1024x512xf32>, vector<256x512xf32> -> vector<256x512xf32>
    %min3A = arith.constant 1.000000e+01 : f32
    %min3A_11 = vector.broadcast %min3A : f32 to vector<256x512xf32>
    %min3A_12 = arith.minimumf %dot_general3A_5, %min3A_11 : vector<256x512xf32>
    %jit3A = arith.constant -1.000000e+01 : f32
    %jit3A_13 = arith.constant 1.000000e+01 : f32
    %max3A = vector.broadcast %jit3A : f32 to vector<256x512xf32>
    %max3A_14 = arith.maximumf %max3A, %dot_general3A_10 : vector<256x512xf32>
    %min3A_15 = vector.broadcast %jit3A_13 : f32 to vector<256x512xf32>
    %min3A_16 = arith.minimumf %min3A_15, %max3A_14 : vector<256x512xf32>
    %logistic3A = arith.negf %min3A_12 : vector<256x512xf32>
    %logistic3A_17 = math.exp %logistic3A : vector<256x512xf32>
    %logistic3A_18 = arith.constant 1.000000e+00 : f32
    %logistic3A_19 = vector.broadcast %logistic3A_18 : f32 to vector<256x512xf32>
    %logistic3A_20 = arith.addf %logistic3A_19, %logistic3A_17 : vector<256x512xf32>
    %logistic3A_21 = arith.divf %logistic3A_19, %logistic3A_20 : vector<256x512xf32>
    %mul3A = arith.mulf %min3A_12, %logistic3A_21 : vector<256x512xf32>
    %mul3A_22 = arith.mulf %mul3A, %min3A_16 : vector<256x512xf32>
    %get3A_23 = arith.constant 0 : index
    %get3A_24 = arith.constant 0 : index
    %get3A_25 = vector.load %arg3[%get3A_23, %get3A_24] : memref<512x1024xf32, #tpu.memory_space<vmem>>, vector<512x1024xf32>
    %dot_general3A_26 = arith.constant dense<0.000000e+00> : vector<256x1024xf32>
    %dot_general3A_27 = tpu.matmul %mul3A_22, %get3A_25, %dot_general3A_26 {dimension_numbers = #tpu.dot_dimension_numbers<[1], [0], [0], [1], [0, 0, 1, 1], [], []>, transpose_lhs_hint = false} : vector<256x512xf32>, vector<512x1024xf32>, vector<256x1024xf32> -> vector<256x1024xf32>
    %swap3A = arith.constant 0 : index
    %swap3A_28 = arith.constant 0 : index
    %swap3A_29 = vector.load %arg5[%swap3A, %swap3A_28] : memref<256x1024xf32, #tpu.memory_space<vmem>>, vector<256x1024xf32>
    tpu.vector_store %arg5[%swap3A, %swap3A_28], %dot_general3A_27 {strides = array<i32>} : memref<256x1024xf32, #tpu.memory_space<vmem>>, vector<256x1024xf32>,
    return
  }
  func.func @transform_0(%arg0: i32) -> (i32, i32) {
    %c0_i32 = arith.constant 0 : i32
    %c0_i32_0 = arith.constant 0 : i32
    return %arg0, %c0_i32 : i32, i32
  }
  func.func @transform_1(%arg0: i32) -> (i32, i32) {
    %c0_i32 = arith.constant 0 : i32
    %c0_i32_0 = arith.constant 0 : i32
    %c0_i32_1 = arith.constant 0 : i32
    return %c0_i32, %c0_i32_0 : i32, i32
  }
  func.func @transform_2(%arg0: i32) -> (i32, i32) {
    %c0_i32 = arith.constant 0 : i32
    %c0_i32_0 = arith.constant 0 : i32
    %c0_i32_1 = arith.constant 0 : i32
    return %c0_i32, %c0_i32_0 : i32, i32
  }
  func.func @transform_3(%arg0: i32) -> (i32, i32) {
    %c0_i32 = arith.constant 0 : i32
    %c0_i32_0 = arith.constant 0 : i32
    %c0_i32_1 = arith.constant 0 : i32
    return %c0_i32, %c0_i32_0 : i32, i32
  }
  func.func @transform_4(%arg0: i32) -> (i32, i32) {
    %c0_i32 = arith.constant 0 : i32
    %c0_i32_0 = arith.constant 0 : i32
    return %arg0, %c0_i32 : i32, i32
  }
}

module attributes {stable_mosaic.version = 14 : i64} {
  func.func @_combine_body(%arg0: i32, %arg1: memref<256x1024xf32, #tpu.memory_space<vmem>>, %arg2: memref<256x512xi32, #tpu.memory_space<vmem>>, %arg3: memref<256x512xi32, #tpu.memory_space<vmem>>, %arg4: memref<256x1024xf32, #tpu.memory_space<vmem>>) attributes {dimension_semantics = [#tpu.dimension_semantics<arbitrary>], iteration_bounds = array<i64: 8>, scalar_prefetch = 0 : i64, scratch_operands = 0 : i64, tpu.core_type = #tpu.core_type<tc>, window_params = [{transform_indices = @transform_0, window_bounds = array<i64: 256, 1024>}, {transform_indices = @transform_1, window_bounds = array<i64: 256, 512>}, {transform_indices = @transform_2, window_bounds = array<i64: 256, 512>}, {transform_indices = @transform_3, window_bounds = array<i64: 256, 1024>}]} {
    %get3A = arith.constant 0 : index
    %get3A_0 = arith.constant 0 : index
    %get3A_1 = vector.load %arg1[%get3A, %get3A_0] : memref<256x1024xf32, #tpu.memory_space<vmem>>, vector<256x1024xf32>
    %get3A_2 = arith.constant 0 : index
    %get3A_3 = arith.constant 0 : index
    %get3A_4 = vector.load %arg2[%get3A_2, %get3A_3] : memref<256x512xi32, #tpu.memory_space<vmem>>, vector<256x512xi32>
    %bitcast_convert_type3A = tpu.bitcast %get3A_4 : vector<256x512xi32> -> vector<256x512xi32>
    %shift_left3A = arith.constant 16 : i32
    %shift_left3A_5 = vector.broadcast %shift_left3A : i32 to vector<256x512xi32>
    %shift_left3A_6 = arith.shli %bitcast_convert_type3A, %shift_left3A_5 : vector<256x512xi32>
    %bitcast_convert_type3A_7 = tpu.bitcast %shift_left3A_6 : vector<256x512xi32> -> vector<256x512xf32>
    %and3A = arith.constant -65536 : i32
    %and3A_8 = vector.broadcast %and3A : i32 to vector<256x512xi32>
    %and3A_9 = arith.andi %bitcast_convert_type3A, %and3A_8 : vector<256x512xi32>
    %bitcast_convert_type3A_10 = tpu.bitcast %and3A_9 : vector<256x512xi32> -> vector<256x512xf32>
    %concatenate3A = tpu.concatenate %bitcast_convert_type3A_7, %bitcast_convert_type3A_10 in 1 : vector<256x512xf32>, vector<256x512xf32> -> vector<256x1024xf32>
    %add3A = arith.addf %get3A_1, %concatenate3A : vector<256x1024xf32>
    %get3A_11 = arith.constant 0 : index
    %get3A_12 = arith.constant 0 : index
    %get3A_13 = vector.load %arg3[%get3A_11, %get3A_12] : memref<256x512xi32, #tpu.memory_space<vmem>>, vector<256x512xi32>
    %bitcast_convert_type3A_14 = tpu.bitcast %get3A_13 : vector<256x512xi32> -> vector<256x512xi32>
    %shift_left3A_15 = arith.constant 16 : i32
    %shift_left3A_16 = vector.broadcast %shift_left3A_15 : i32 to vector<256x512xi32>
    %shift_left3A_17 = arith.shli %bitcast_convert_type3A_14, %shift_left3A_16 : vector<256x512xi32>
    %bitcast_convert_type3A_18 = tpu.bitcast %shift_left3A_17 : vector<256x512xi32> -> vector<256x512xf32>
    %and3A_19 = arith.constant -65536 : i32
    %and3A_20 = vector.broadcast %and3A_19 : i32 to vector<256x512xi32>
    %and3A_21 = arith.andi %bitcast_convert_type3A_14, %and3A_20 : vector<256x512xi32>
    %bitcast_convert_type3A_22 = tpu.bitcast %and3A_21 : vector<256x512xi32> -> vector<256x512xf32>
    %concatenate3A_23 = tpu.concatenate %bitcast_convert_type3A_18, %bitcast_convert_type3A_22 in 1 : vector<256x512xf32>, vector<256x512xf32> -> vector<256x1024xf32>
    %add3A_24 = arith.addf %add3A, %concatenate3A_23 : vector<256x1024xf32>
    %swap3A = arith.constant 0 : index
    %swap3A_25 = arith.constant 0 : index
    %swap3A_26 = vector.load %arg4[%swap3A, %swap3A_25] : memref<256x1024xf32, #tpu.memory_space<vmem>>, vector<256x1024xf32>
    tpu.vector_store %arg4[%swap3A, %swap3A_25], %add3A_24 {strides = array<i32>} : memref<256x1024xf32, #tpu.memory_space<vmem>>, vector<256x1024xf32>,
    return
  }
  func.func @transform_0(%arg0: i32) -> (i32, i32) {
    %c0_i32 = arith.constant 0 : i32
    %c0_i32_0 = arith.constant 0 : i32
    return %arg0, %c0_i32 : i32, i32
  }
  func.func @transform_1(%arg0: i32) -> (i32, i32) {
    %c0_i32 = arith.constant 0 : i32
    %c0_i32_0 = arith.constant 0 : i32
    return %arg0, %c0_i32 : i32, i32
  }
  func.func @transform_2(%arg0: i32) -> (i32, i32) {
    %add3A = arith.constant 8 : i32
    %add3A_0 = arith.addi %arg0, %add3A : i32
    %c0_i32 = arith.constant 0 : i32
    %c0_i32_1 = arith.constant 0 : i32
    return %add3A_0, %c0_i32 : i32, i32
  }
  func.func @transform_3(%arg0: i32) -> (i32, i32) {
    %c0_i32 = arith.constant 0 : i32
    %c0_i32_0 = arith.constant 0 : i32
    return %arg0, %c0_i32 : i32, i32
  }
}

</mosaic_0001>

<sc_bundles>
// kernel: _moe.12.cloned.1.call-start
scs
__scs_entry_jumppad:
0x0: {  	(pc) =	sbr.rel $0x88, $3  }
0x1: {  	(tag) =	ssettag $0x0;
	lr =	simm.s32 $0x1  }
0x2: {  	[smem:$0x3F99] =	sst lr;
	_ =	strace $0xD0000000  }
0x3: {  	_ = 	snop  }
0x4: {  	_ = 	snop  }
0x5: {  	_ = 	snop  }
0x6: {  	_ = 	snop  }
0x7: {  	_ = 	snop  }
__scs_overlays_trampoline_lowered:
0x8: {  	[smem:$0x3FA8] =	sst s0  }
0x9: {  	[smem:$0x3FA9] =	sst s1  }
0xa: {  	[smem:$0x3FAA] =	sst s2  }
0xb: {  	[smem:$0x3FAB] =	sst s3  }
0xc: {  	[smem:$0x3FAC] =	sst s4  }
0xd: {  	[smem:$0x3FAD] =	sst s5  }
0xe: {  	[smem:$0x3FAE] =	sst s6  }
0xf: {  	[smem:$0x3FAF] =	sst s7  }
0x10: {  	[smem:$0x3FB0] =	sst s8  }
0x11: {  	[smem:$0x3FB1] =	sst s9;
	s0 =	simm.s32 @!p0 $0x0  }
0x12: {  	s1 =	sld [smem:$0x3F97];
	s0 =	simm.s32 @p0 $0x1  }
0x13: {  	[smem:$0x3FB2] =	sst s0;
	s0 =	simm.s32 @!p1 $0x0  }
0x14: {  	s2 =	sld [smem:$0x3F96];
	s0 =	simm.s32 @p1 $0x1  }
0x15: {  	[smem:$0x3FB3] =	sst s0;
	s0 =	simm.s32 @!p2 $0x0  }
0x16: {  	s3 =	sld [smem:$0x3FDB];
	s0 =	simm.s32 @p2 $0x1  }
0x17: {  	s4 =	simm.s32 $0x1BF5;
	[smem:$0x3FB5] =	sst s0  }
0x18: {  	s0 =	sld [smem:$0x3F98];
	_ =	swait.ge [sflag:s4], $0x0  }
0x19: {  	s7 =	sld [smem:$0x3F99]  }
0x1a: {  	s8 =	sadd.s32 $0xFFFFE003, lr  }
0x1b: {  	s9 =	sadd.s32 $0xFFFFFEF7, lr;
	s5 =	simm.s32 $0xFFFFFFFF;
	p2 =	slt.u32 s8, $0xFFFFF086  }
0x1c: {  	p1 =	slt.u32 s9, $0xF7A;
	s5 =	simm.s32 @!p2 $0x0  }
0x1d: {  	s5 =	simm.s32 @p1 $0x1;
	p0 =	seq.s32 s7, s2  }
0x1e: {  	s7 =	smul.u32 @!p0 $0xF7A, s2;
	p2 =	seq.s32 @!p0 s5, $0x0  }
0x1f: {  	s9 =	smul.u32 $0xF7A, s1;
	s8 =	simm.s32 @!p0 $0x1BF5;
	p2 =	por !p2, p0  }
0x20: {  	[sflag:s8] =	ssyncset.s32 @!p0 $0xFFFFF086;
	s6 =	sadd.s32 @!p0 s3, s7;
	s7 =	simm.s32 @!p0 $0x108  }
0x21: {  	s3 =	sadd.s32 s3, s9;
	s6 =	sadd.s32 @!p0 $0x88, s6;
	s7 =	simm.s32 @p2 $0x1082  }
0x22: {  	[simem:s7], [sflag:s8] =	dma.local @!p0 [hbm:s6], $0xF7A  }
0x23: {  	s9 =	sor.u32 $0xD0000000, s2;
	s6 =	simm.s32 $0x108;
	_ =	swait.ge @!p0 [sflag:s8], $0x0  }
0x24: {  	s3 =	sadd.s32 $0x88, s3;
	s6 =	simm.s32 @!p1 $0x1082;
	[sflag:s4] =	ssyncset.s32 $0xFFFFF086  }
0x25: {  	[simem:s6], [sflag:s4] =	dma.local [hbm:s3], $0xF7A  }
0x26: {  	[smem:$0x3F99] =	sst s1;
	(tag) =	ssettag s2;
	_ =	strace s9  }
0x27: {  	s1 =	sld [smem:$0x3FA9]  }
0x28: {  	s2 =	sld [smem:$0x3FAA]  }
0x29: {  	s4 =	sld [smem:$0x3FAC]  }
0x2a: {  	p0 =	seq.s32 s5, $0x0;
	s5 =	sld [smem:$0x3FAD]  }
0x2b: {  	s6 =	sld [smem:$0x3FAE]  }
0x2c: {  	s7 =	sld [smem:$0x3FAF]  }
0x2d: {  	s3 =	simm.s32 $0x108;
	s8 =	sld [smem:$0x3FB0]  }
0x2e: {  	s3 =	simm.s32 @!p0 $0x1082;
	s9 =	sld [smem:$0x3FB1]  }
0x2f: {  	lr =	sadd.s32 s0, s3;
	s0 =	sld [smem:$0x3FA8]  }
0x30: {  	s3 =	sld [smem:$0x3FAB]  }
0x31: {  	[smem:$0x3FB4] =	sst s10  }
0x32: {  	s10 =	sld [smem:$0x3FB2];
	_ =	sdelay $0x3  }
0x33: {  	p0 =	seq.s32 s10, $0x1;
	s10 =	sld [smem:$0x3FB4];
	_ =	sdelay $0x3  }
0x34: {  	[smem:$0x3FB4] =	sst s10  }
0x35: {  	s10 =	sld [smem:$0x3FB3];
	_ =	sdelay $0x3  }
0x36: {  	p1 =	seq.s32 s10, $0x1;
	s10 =	sld [smem:$0x3FB4];
	_ =	sdelay $0x3  }
0x37: {  	[smem:$0x3FB4] =	sst s10  }
0x38: {  	s10 =	sld [smem:$0x3FB5]  }
0x39: {  	_ = 	snop;
	(pc) =	sbr.ind lr, $3  }
0x3a: {  	_ = 	snop  }
0x3b: {  	_ = 	snop  }
0x3c: {  	p2 =	seq.s32 s10, $0x1;
	s10 =	sld [smem:$0x3FB4]  }
0x3d: {  	_ =	shalt  }
0x3e: {  	_ =	shalt  }
0x3f: {  	_ =	shalt  }
0x40: {  	_ =	shalt  }
0x41: {  	_ =	shalt  }
0x42: {  	_ =	shalt  }
0x43: {  	_ =	shalt  }
0x44: {  	_ =	shalt  }
0x45: {  	_ =	shalt  }
0x46: {  	_ =	shalt  }
0x47: {  	_ =	shalt  }
0x48: {  	_ =	shalt  }
0x49: {  	_ =	shalt  }
0x4a: {  	_ =	shalt  }
0x4b: {  	_ =	shalt  }
0x4c: {  	_ =	shalt  }
0x4d: {  	_ =	shalt  }
0x4e: {  	_ =	shalt  }
0x4f: {  	_ =	shalt  }
0x50: {  	_ =	shalt  }
0x51: {  	_ =	shalt  }
0x52: {  	_ =	shalt  }
0x53: {  	_ =	shalt  }
0x54: {  	_ =	shalt  }
0x55: {  	_ =	shalt  }
0x56: {  	_ =	shalt  }
0x57: {  	_ =	shalt  }
0x58: {  	_ =	shalt  }
0x59: {  	_ =	shalt  }
0x5a: {  	_ =	shalt  }
0x5b: {  	_ =	shalt  }
0x5c: {  	_ =	shalt  }
0x5d: {  	_ =	shalt  }
0x5e: {  	_ =	shalt  }
0x5f: {  	_ =	shalt  }
0x60: {  	_ =	shalt  }
0x61: {  	_ =	shalt  }
0x62: {  	_ =	shalt  }
0x63: {  	_ =	shalt  }
0x64: {  	_ =	shalt  }
0x65: {  	_ =	shalt  }
0x66: {  	_ =	shalt  }
0x67: {  	_ =	shalt  }
0x68: {  	_ =	shalt  }
0x69: {  	_ =	shalt  }
0x6a: {  	_ =	shalt  }
0x6b: {  	_ =	shalt  }
0x6c: {  	_ =	shalt  }
0x6d: {  	_ =	shalt  }
0x6e: {  	_ =	shalt  }
0x6f: {  	_ =	shalt  }
0x70: {  	_ =	shalt  }
0x71: {  	_ =	shalt  }
0x72: {  	_ =	shalt  }
0x73: {  	_ =	shalt  }
0x74: {  	_ =	shalt  }
0x75: {  	_ =	shalt  }
0x76: {  	_ =	shalt  }
0x77: {  	_ =	shalt  }
0x78: {  	_ =	shalt  }
0x79: {  	_ =	shalt  }
0x7a: {  	_ =	shalt  }
0x7b: {  	_ =	shalt  }
0x7c: {  	_ =	shalt  }
0x7d: {  	_ =	shalt  }
0x7e: {  	_ =	shalt  }
0x7f: {  	_ =	shalt  }
0x80: {  	_ =	shalt  }
0x81: {  	_ =	shalt  }
0x82: {  	_ =	shalt  }
0x83: {  	_ =	shalt  }
0x84: {  	_ =	shalt  }
0x85: {  	_ =	shalt  }
0x86: {  	_ =	shalt  }
0x87: {  	_ =	shalt  }
.Lfunc_end0:
.L_simem_size_0:
called_computation.1_lowered:
.L_overlay_start_0:
0x88: {  	s2 =	sld [smem:$0x3FD9]  }
0x89: {  	s3 =	sld [smem:$0x3FFE];
	_ =	sdelay $0x1  }
0x8a: {  	s1 =	srdreg.scid  }
0x8b: {  	s0 =	sand.u32 $0x1, s1  }
0x8c: {  	s17 =	sshll.u32 s0, $0xA;
	s2 =	sadd.s32 s3, s2  }
0x8d: {  	s2 =	sadd.s32 s2, s17  }
0x8e: {  	[smem:$0x3FC0] =	sst s2  }
0x8f: {  	_ = 	snop  }
0x90: {  	s2 =	sld [smem:$0x3FD0];
	(tm) =	ssettm $0x1  }
0x91: {  	s18 =	sld [smem:$0x3FFB];
	_ =	sdelay $0x3  }
0x92: {  	_ =	strace s18  }
0x93: {  	s3 =	sld [smem:$0x3FFC];
	_ =	sdelay $0x3  }
0x94: {  	_ =	strace s3  }
0x95: {  	s3 =	sld [smem:$0x3FFD];
	_ =	sdelay $0x3  }
0x96: {  	_ =	strace s3  }
0x97: {  	_ =	strace $0x8FFFFFFF  }
0x98: {  	s19 =	sld [smem:$0x3FDB];
	_ =	sdelay $0x1  }
0x99: {  	s4 =	simm.s32 $_scs_section_size  }
0x9a: {  	s5 =	simm.s32 $_size__tile_overlayer_lowered;
	s6 =	simm.s32 $_tile_overlayer_lowered  }
0x9b: {  	s22 =	simm.s32 $0x1BFF;
	s21 =	sshll.u32 s6, $0x1;
	s3 =	sadd.s32 s4, s19  }
0x9c: {  	s7 =	simm.s32 $0x0;
	s20 =	sshll.u32 s5, $0x1;
	s5 =	sadd.s32 s21, s3  }
0x9d: {  	[timem:s7], [sflag:s22] =	dma.local [hbm:s5], s20  }
0x9e: {  	_ =	swait.ge [sflag:s22], s20  }
0x9f: {  	s4 =	ssub.s32 $0x0, s20;
	[sflag:s22] =	ssyncset.done $0x0  }
0xa0: {  	[sflag:s22] =	ssyncadd.s32 s4;
	_ =	sdelay $0x1  }
0xa1: {  	s23 =	simm.s32 $0x1B8B  }
0xa2: {  	_ =	swait.ge [sflag:s23], $0x1  }
0xa3: {  	[sflag:s23] =	ssyncset.done $0x0  }
0xa4: {  	s25 =	simm.s32 $0x1B8E;
	s24 =	sld [smem:$0x3FFE];
	[sflag:s23] =	ssyncadd.s32 $0xFFFFFFFF  }
0xa5: {  	s26 =	simm.s32 $execute0_lowered;
	[smem:$0x3FD2] =	sst s25  }
0xa6: {  	s5 =	sshll.u32 s26, $0x1;
	_ =	strace $0x80000049;
	[dreg:$0x1] =	wrdreg $0xFFFFFFFF  }
0xa7: {  	s28 =	simm.s32 $_size_execute0_lowered;
	s3 =	sadd.s32 s3, s5;
	[dreg:$0x0] =	wrdreg $0x0  }
0xa8: {  	s5 =	sshll.u32 s28, $0x1;
	[dreg:$0x2] =	wrdreg s3  }
0xa9: {  	[dreg:$0x3] =	wrdreg s5  }
0xaa: {  	[dreg:$0x4] =	wrdreg $0xC0  }
0xab: {  	_ =	task [dreg:s7], $0x5FFFF  }
0xac: {  	[dreg:$0x1] =	wrdreg $0xFFFFFFFF  }
0xad: {  	[dreg:$0x0] =	wrdreg $0x60  }
0xae: {  	[dreg:$0x2] =	wrdreg s2  }
0xaf: {  	[dreg:$0x3] =	wrdreg s24  }
0xb0: {  	[dreg:$0x4] =	wrdreg $0x9  }
0xb1: {  	_ =	task.clear_ibuf [dreg:s7], $0x5FFFF;
	_ =	strace $0x90000049  }
0xb2: {  	s29 =	simm.s32 $0x9;
	_ =	strace $0x8000004B  }
0xb3: {  	_ =	swait.ge [sflag:s29], $0x1  }
0xb4: {  	[sflag:s29] =	ssyncadd.s32 $0xFFFFFFFF  }
0xb5: {  	_ =	strace $0x9000004B  }
0xb6: {  	_ =	sfence  }
0xb7: {  	s30 =	sld [smem:$0x0];
	_ =	sdelay $0x2  }
0xb8: {  	s31 =	sshll.u32 s1, $0xD;
	s1 =	sshrl.u32 s1, $0x2  }
0xb9: {  	s3 =	sand.u32 $0x4000, s31;
	s1 =	sadd.s32 s1, s30  }
0xba: {  	s0 =	sor.u32 s3, s0;
	s1 =	sshll.u32 s1, $0x11  }
0xbb: {  	s0 =	sor.u32 s1, s0  }
0xbc: {  	s0 =	sadd.s32 $0x8F2B, s0  }
0xbd: {  	[sflag:s0] =	ssyncadd.remote.s32 $0x1  }
0xbe: {  	_ =	sfence.sel $0xFFFF  }
0xbf: {  	[dreg:$0x0] =	wrdreg $0xFFFFFFFF;
	(pc) =	sbr.abs _section_cstart, $3  }
0xc0: {  	[dreg:$0x1] =	wrdreg $0xFFFFFFFF  }
0xc1: {  	_ =	task.clear_ibuf [dreg:s7], $0x2FFFF;
	_ =	strace $0x9FFFFFFF  }
0xc2: {  	(tm) =	ssettm $0x7FFFFFFF  }
0xc3: {  	_ =	shalt  }
tec
execute0_lowered:
.L_overlay_start_1:
0x0: {  	(tag) =	ssettag $0x1  }
0x1: {  	s1 =	srdreg.scid;
	s0 =	stileid.u32  }
0x2: {  	s2 =	rddreg [dreg:$0x0];
	s1 =	sand.u32 $0x1, s1;
	s3 =	sshll.u32 s0, $0x1  }
0x3: {  	s5 =	rddreg [dreg:$0x1];
	s4 =	sor.u32 s1, s3;
	s3 =	simm.s32 $0x0  }
0x4: {  	s10 =	simm.s32 $0x900;
	[smem:$0x7FF] =	sst s3  }
0x5: {  	s11 =	simm.s32 $0x1100;
	_ =	strace $0x8000004A;
	[dreg:$0x5] =	wrdreg s10  }
0x6: {  	s12 =	simm.s32 $0x1900;
	[dreg:$0x6] =	wrdreg s11  }
0x7: {  	s13 =	simm.s32 $0x2100;
	[dreg:$0x7] =	wrdreg s12  }
0x8: {  	s14 =	simm.s32 $0x2900;
	[dreg:$0x8] =	wrdreg s13  }
0x9: {  	s15 =	simm.s32 $0x3100;
	[dreg:$0x9] =	wrdreg s14  }
0xa: {  	s16 =	simm.s32 $0x3900;
	[dreg:$0xa] =	wrdreg s15  }
0xb: {  	s17 =	simm.s32 $0x4100;
	s18 =	simm.s32 $0x4900;
	[dreg:$0xb] =	wrdreg s16  }
0xc: {  	s19 =	simm.s32 $0x5100;
	s20 =	simm.s32 $0x5900;
	[dreg:$0xc] =	wrdreg s17  }
0xd: {  	s21 =	simm.s32 $0x6100;
	s23 =	simm.s32 $0x6900;
	[dreg:$0xd] =	wrdreg s18  }
0xe: {  	s24 =	simm.s32 $0x7100;
	s25 =	simm.s32 $0x7900;
	[dreg:$0xe] =	wrdreg s19  }
0xf: {  	s26 =	simm.s32 $0x8100;
	s7 =	simm.s32 $0x100;
	[dreg:$0xf] =	wrdreg s20  }
0x10: {  	s28 =	simm.s32 $0x12100;
	s29 =	simm.s32 $0x12900;
	[dreg:$0x10] =	wrdreg s21  }
0x11: {  	s30 =	simm.s32 $0x13100;
	s31 =	simm.s32 $0x13900;
	[dreg:$0x11] =	wrdreg s23  }
0x12: {  	s1 =	ssub.s32 $0x2, s1;
	s6 =	smul.u32 $0x14, s4;
	[dreg:$0x12] =	wrdreg s24  }
0x13: {  	s4 =	smul.u32 $0x2800, s4;
	s22 =	sshrl.u32 s1, $0x1;
	[dreg:$0x13] =	wrdreg s25  }
0x14: {  	s1 =	ssub.s32 s1, s22;
	[dreg:$0x14] =	wrdreg s26;
	s10 =	simm.s32 $0x9900  }
0x15: {  	s11 =	simm.s32 $0xA100;
	s12 =	simm.s32 $0xA900;
	s13 =	simm.s32 $0xB100  }
0x16: {  	s14 =	simm.s32 $0xB900;
	s15 =	simm.s32 $0xC100;
	s16 =	simm.s32 $0xC900  }
0x17: {  	s17 =	simm.s32 $0xD100;
	s18 =	simm.s32 $0xD900;
	s19 =	simm.s32 $0xE100  }
0x18: {  	s20 =	simm.s32 $0xE900;
	s21 =	simm.s32 $0xF100;
	s22 =	simm.s32 $0xF900  }
0x19: {  	s23 =	simm.s32 $0x10100;
	s24 =	simm.s32 $0x10900;
	s25 =	simm.s32 $0x11100  }
0x1a: {  	s26 =	simm.s32 $0x11900;
	s6 =	sadd.s32 s6, s5;
	s4 =	sadd.s32 s4, s5  }
0x1b: {  	v2 =	vlaneseq.u32;
	s5 =	smax.u32 s1, $0x1;
	s1 =	simm.s32 $0x1;
	s9 =	sadd.s32 $0x3200, s6  }
0x1c: {  	vm0 =	vmmov $0xffff;
	v1 =	vshrl.u32 v2, $0x3;
	s4 =	sadd.s32 $0x3E00, s4;
	s6 =	simm.s32 $0x2;
	[dreg:$0x3] =	wrdreg s9  }
0x1d: {  	v0 =	vand.u32 $0x7, v2;
	v2 =	vor.u32 $0x8, v2;
	v1 =	vmul.u32 $0x8, v1;
	[dreg:$0x4] =	wrdreg s4;
	s4 =	sadd.s32 $0x100, s2;
	s9 =	simm.s32 $0x9100  }
.LBB2_1:
0x1e: {  	s0 =	rddreg [dreg:$0x3]  }
0x1f: {  	[tilespmem:s3], [sflag:$0x2] =	stream.linear.gather [hbm4b:s0+s3], $0xA0, $0x38;
	[tilespmem:$0x14100] =	vst v63  }
0x20: {  	_ =	swait.ge [sflag:s6], $0xA0  }
0x21: {  	[sflag:s6] =	ssyncset.done $0x0  }
0x22: {  	[sflag:s6] =	ssyncadd.s32 $0xFFFFFF60  }
0x23: {  	v3 =	vld [tilespmem:$0x0];
	_ =	sdelay $0x4  }
0x24: {  	v4 =	vshll.u32 v3, $0x2  }
0x25: {  	v3 =	vand.u32 $0x7, v3;
	v4 =	vand.u32 $0xFFFFFFE0, v4  }
0x26: {  	v3 =	vor.u32 v3, v4  }
0x27: {  	v4 =	vperm.xlane v3, v0;
	_ =	sdelay $0x1  }
0x28: {  	v4 =	vadd.s32 v1, v4;
	_ =	sdelay $0x1  }
0x29: {  	v3 =	vperm.xlane v3, v2;
	_ =	sdelay $0x1  }
0x2a: {  	v3 =	vadd.s32 v1, v3  }
0x2b: {  	[tilespmem:s7], [sflag:$0x1] =	stream.indirect_vreg.gather [hbm4b:s2+s3], $0x80, v4, vm0, $0xb8;
	[tilespmem:$0x14100] =	vst v63  }
0x2c: {  	s0 =	rddreg [dreg:$0x5]  }
0x2d: {  	[tilespmem:s0], [sflag:$0x1] =	stream.indirect_vreg.gather [hbm4b:s4+s3], $0x80, v4, vm0, $0xb8;
	[tilespmem:$0x14100] =	vst v63  }
0x2e: {  	s8 =	rddreg [dreg:$0x6]  }
0x2f: {  	[tilespmem:s8], [sflag:$0x1] =	stream.indirect_vreg.gather [hbm4b:s2+s3], $0x80, v3, vm0, $0xb8;
	[tilespmem:$0x14100] =	vst v63  }
0x30: {  	s0 =	rddreg [dreg:$0x7]  }
0x31: {  	[tilespmem:s0], [sflag:$0x1] =	stream.indirect_vreg.gather [hbm4b:s4+s3], $0x80, v3, vm0, $0xb8;
	[tilespmem:$0x14100] =	vst v63  }
0x32: {  	v3 =	vld [tilespmem:$0x10];
	_ =	sdelay $0x4  }
0x33: {  	v55 =	vshll.u32 v3, $0x2  }
0x34: {  	v3 =	vand.u32 $0x7, v3;
	v4 =	vand.u32 $0xFFFFFFE0, v55  }
0x35: {  	v3 =	vor.u32 v3, v4  }
0x36: {  	v4 =	vperm.xlane v3, v0;
	_ =	sdelay $0x1  }
0x37: {  	v4 =	vadd.s32 v1, v4;
	_ =	sdelay $0x1  }
0x38: {  	v3 =	vperm.xlane v3, v2;
	_ =	sdelay $0x1  }
0x39: {  	s0 =	rddreg [dreg:$0x8];
	v3 =	vadd.s32 v1, v3  }
0x3a: {  	[tilespmem:s0], [sflag:$0x1] =	stream.indirect_vreg.gather [hbm4b:s2+s3], $0x80, v4, vm0, $0xb8;
	[tilespmem:$0x14100] =	vst v63  }
0x3b: {  	s8 =	rddreg [dreg:$0x9]  }
0x3c: {  	[tilespmem:s8], [sflag:$0x1] =	stream.indirect_vreg.gather [hbm4b:s4+s3], $0x80, v4, vm0, $0xb8;
	[tilespmem:$0x14100] =	vst v63  }
0x3d: {  	s0 =	rddreg [dreg:$0xa]  }
0x3e: {  	[tilespmem:s0], [sflag:$0x1] =	stream.indirect_vreg.gather [hbm4b:s2+s3], $0x80, v3, vm0, $0xb8;
	[tilespmem:$0x14100] =	vst v63  }
0x3f: {  	s8 =	rddreg [dreg:$0xb]  }
0x40: {  	[tilespmem:s8], [sflag:$0x1] =	stream.indirect_vreg.gather [hbm4b:s4+s3], $0x80, v3, vm0, $0xb8;
	[tilespmem:$0x14100] =	vst v63  }
0x41: {  	v3 =	vld [tilespmem:$0x20];
	_ =	sdelay $0x4  }
0x42: {  	v56 =	vshll.u32 v3, $0x2  }
0x43: {  	v3 =	vand.u32 $0x7, v3;
	v4 =	vand.u32 $0xFFFFFFE0, v56  }
0x44: {  	v3 =	vor.u32 v3, v4  }
0x45: {  	v4 =	vperm.xlane v3, v0;
	_ =	sdelay $0x1  }
0x46: {  	v4 =	vadd.s32 v1, v4;
	_ =	sdelay $0x1  }
0x47: {  	v3 =	vperm.xlane v3, v2;
	_ =	sdelay $0x1  }
0x48: {  	s0 =	rddreg [dreg:$0xc];
	v3 =	vadd.s32 v1, v3  }
0x49: {  	[tilespmem:s0], [sflag:$0x1] =	stream.indirect_vreg.gather [hbm4b:s2+s3], $0x80, v4, vm0, $0xb8;
	[tilespmem:$0x14100] =	vst v63  }
0x4a: {  	s8 =	rddreg [dreg:$0xd]  }
0x4b: {  	[tilespmem:s8], [sflag:$0x1] =	stream.indirect_vreg.gather [hbm4b:s4+s3], $0x80, v4, vm0, $0xb8;
	[tilespmem:$0x14100] =	vst v63  }
0x4c: {  	s0 =	rddreg [dreg:$0xe]  }
0x4d: {  	[tilespmem:s0], [sflag:$0x1] =	stream.indirect_vreg.gather [hbm4b:s2+s3], $0x80, v3, vm0, $0xb8;
	[tilespmem:$0x14100] =	vst v63  }
0x4e: {  	s8 =	rddreg [dreg:$0xf]  }
0x4f: {  	[tilespmem:s8], [sflag:$0x1] =	stream.indirect_vreg.gather [hbm4b:s4+s3], $0x80, v3, vm0, $0xb8;
	[tilespmem:$0x14100] =	vst v63  }
0x50: {  	v3 =	vld [tilespmem:$0x30];
	_ =	sdelay $0x4  }
0x51: {  	v57 =	vshll.u32 v3, $0x2  }
0x52: {  	v3 =	vand.u32 $0x7, v3;
	v4 =	vand.u32 $0xFFFFFFE0, v57  }
0x53: {  	v3 =	vor.u32 v3, v4  }
0x54: {  	v4 =	vperm.xlane v3, v0;
	_ =	sdelay $0x1  }
0x55: {  	v4 =	vadd.s32 v1, v4;
	_ =	sdelay $0x1  }
0x56: {  	v3 =	vperm.xlane v3, v2;
	_ =	sdelay $0x1  }
0x57: {  	s0 =	rddreg [dreg:$0x10];
	v3 =	vadd.s32 v1, v3  }
0x58: {  	[tilespmem:s0], [sflag:$0x1] =	stream.indirect_vreg.gather [hbm4b:s2+s3], $0x80, v4, vm0, $0xb8;
	[tilespmem:$0x14100] =	vst v63  }
0x59: {  	s8 =	rddreg [dreg:$0x11]  }
0x5a: {  	[tilespmem:s8], [sflag:$0x1] =	stream.indirect_vreg.gather [hbm4b:s4+s3], $0x80, v4, vm0, $0xb8;
	[tilespmem:$0x14100] =	vst v63  }
0x5b: {  	s0 =	rddreg [dreg:$0x12]  }
0x5c: {  	[tilespmem:s0], [sflag:$0x1] =	stream.indirect_vreg.gather [hbm4b:s2+s3], $0x80, v3, vm0, $0xb8;
	[tilespmem:$0x14100] =	vst v63  }
0x5d: {  	s8 =	rddreg [dreg:$0x13]  }
0x5e: {  	[tilespmem:s8], [sflag:$0x1] =	stream.indirect_vreg.gather [hbm4b:s4+s3], $0x80, v3, vm0, $0xb8;
	[tilespmem:$0x14100] =	vst v63  }
0x5f: {  	v3 =	vld [tilespmem:$0x40];
	_ =	sdelay $0x4  }
0x60: {  	v58 =	vshll.u32 v3, $0x2  }
0x61: {  	v3 =	vand.u32 $0x7, v3;
	v4 =	vand.u32 $0xFFFFFFE0, v58  }
0x62: {  	v3 =	vor.u32 v3, v4  }
0x63: {  	v4 =	vperm.xlane v3, v0;
	_ =	sdelay $0x1  }
0x64: {  	v4 =	vadd.s32 v1, v4;
	_ =	sdelay $0x1  }
0x65: {  	v3 =	vperm.xlane v3, v2;
	_ =	sdelay $0x1  }
0x66: {  	s8 =	rddreg [dreg:$0x14];
	v3 =	vadd.s32 v1, v3  }
0x67: {  	[tilespmem:s8], [sflag:$0x1] =	stream.indirect_vreg.gather [hbm4b:s2+s3], $0x80, v4, vm0, $0xb8;
	[tilespmem:$0x14100] =	vst v63  }
0x68: {  	s8 =	simm.s32 $0x8900  }
0x69: {  	[tilespmem:s8], [sflag:$0x1] =	stream.indirect_vreg.gather [hbm4b:s4+s3], $0x80, v4, vm0, $0xb8;
	[tilespmem:$0x14100] =	vst v63  }
0x6a: {  	_ = 	snop  }
0x6b: {  	[tilespmem:s9], [sflag:$0x1] =	stream.indirect_vreg.gather [hbm4b:s2+s3], $0x80, v3, vm0, $0xb8;
	[tilespmem:$0x14100] =	vst v63  }
0x6c: {  	_ = 	snop  }
0x6d: {  	[tilespmem:s10], [sflag:$0x1] =	stream.indirect_vreg.gather [hbm4b:s4+s3], $0x80, v3, vm0, $0xb8;
	[tilespmem:$0x14100] =	vst v63  }
0x6e: {  	v3 =	vld [tilespmem:$0x50];
	_ =	sdelay $0x4  }
0x6f: {  	v59 =	vshll.u32 v3, $0x2  }
0x70: {  	v3 =	vand.u32 $0x7, v3;
	v4 =	vand.u32 $0xFFFFFFE0, v59  }
0x71: {  	v3 =	vor.u32 v3, v4  }
0x72: {  	v4 =	vperm.xlane v3, v0;
	_ =	sdelay $0x1  }
0x73: {  	v4 =	vadd.s32 v1, v4;
	_ =	sdelay $0x1  }
0x74: {  	v3 =	vperm.xlane v3, v2;
	_ =	sdelay $0x1  }
0x75: {  	v3 =	vadd.s32 v1, v3  }
0x76: {  	[tilespmem:s11], [sflag:$0x1] =	stream.indirect_vreg.gather [hbm4b:s2+s3], $0x80, v4, vm0, $0xb8;
	[tilespmem:$0x14100] =	vst v63  }
0x77: {  	_ = 	snop  }
0x78: {  	[tilespmem:s12], [sflag:$0x1] =	stream.indirect_vreg.gather [hbm4b:s4+s3], $0x80, v4, vm0, $0xb8;
	[tilespmem:$0x14100] =	vst v63  }
0x79: {  	_ = 	snop  }
0x7a: {  	[tilespmem:s13], [sflag:$0x1] =	stream.indirect_vreg.gather [hbm4b:s2+s3], $0x80, v3, vm0, $0xb8;
	[tilespmem:$0x14100] =	vst v63  }
0x7b: {  	_ = 	snop  }
0x7c: {  	[tilespmem:s14], [sflag:$0x1] =	stream.indirect_vreg.gather [hbm4b:s4+s3], $0x80, v3, vm0, $0xb8;
	[tilespmem:$0x14100] =	vst v63  }
0x7d: {  	v3 =	vld [tilespmem:$0x60];
	_ =	sdelay $0x4  }
0x7e: {  	v60 =	vshll.u32 v3, $0x2  }
0x7f: {  	v3 =	vand.u32 $0x7, v3;
	v4 =	vand.u32 $0xFFFFFFE0, v60  }
0x80: {  	v3 =	vor.u32 v3, v4  }
0x81: {  	v4 =	vperm.xlane v3, v0;
	_ =	sdelay $0x1  }
0x82: {  	v4 =	vadd.s32 v1, v4;
	_ =	sdelay $0x1  }
0x83: {  	v3 =	vperm.xlane v3, v2;
	_ =	sdelay $0x1  }
0x84: {  	v3 =	vadd.s32 v1, v3  }
0x85: {  	[tilespmem:s15], [sflag:$0x1] =	stream.indirect_vreg.gather [hbm4b:s2+s3], $0x80, v4, vm0, $0xb8;
	[tilespmem:$0x14100] =	vst v63  }
0x86: {  	_ = 	snop  }
0x87: {  	[tilespmem:s16], [sflag:$0x1] =	stream.indirect_vreg.gather [hbm4b:s4+s3], $0x80, v4, vm0, $0xb8;
	[tilespmem:$0x14100] =	vst v63  }
0x88: {  	_ = 	snop  }
0x89: {  	[tilespmem:s17], [sflag:$0x1] =	stream.indirect_vreg.gather [hbm4b:s2+s3], $0x80, v3, vm0, $0xb8;
	[tilespmem:$0x14100] =	vst v63  }
0x8a: {  	_ = 	snop  }
0x8b: {  	[tilespmem:s18], [sflag:$0x1] =	stream.indirect_vreg.gather [hbm4b:s4+s3], $0x80, v3, vm0, $0xb8;
	[tilespmem:$0x14100] =	vst v63  }
0x8c: {  	v3 =	vld [tilespmem:$0x70];
	_ =	sdelay $0x4  }
0x8d: {  	v61 =	vshll.u32 v3, $0x2  }
0x8e: {  	v3 =	vand.u32 $0x7, v3;
	v4 =	vand.u32 $0xFFFFFFE0, v61  }
0x8f: {  	v3 =	vor.u32 v3, v4  }
0x90: {  	v4 =	vperm.xlane v3, v0;
	_ =	sdelay $0x1  }
0x91: {  	v4 =	vadd.s32 v1, v4;
	_ =	sdelay $0x1  }
0x92: {  	v3 =	vperm.xlane v3, v2;
	_ =	sdelay $0x1  }
0x93: {  	v3 =	vadd.s32 v1, v3  }
0x94: {  	[tilespmem:s19], [sflag:$0x1] =	stream.indirect_vreg.gather [hbm4b:s2+s3], $0x80, v4, vm0, $0xb8;
	[tilespmem:$0x14100] =	vst v63  }
0x95: {  	_ = 	snop  }
0x96: {  	[tilespmem:s20], [sflag:$0x1] =	stream.indirect_vreg.gather [hbm4b:s4+s3], $0x80, v4, vm0, $0xb8;
	[tilespmem:$0x14100] =	vst v63  }
0x97: {  	_ = 	snop  }
0x98: {  	[tilespmem:s21], [sflag:$0x1] =	stream.indirect_vreg.gather [hbm4b:s2+s3], $0x80, v3, vm0, $0xb8;
	[tilespmem:$0x14100] =	vst v63  }
0x99: {  	_ = 	snop  }
0x9a: {  	[tilespmem:s22], [sflag:$0x1] =	stream.indirect_vreg.gather [hbm4b:s4+s3], $0x80, v3, vm0, $0xb8;
	[tilespmem:$0x14100] =	vst v63  }
0x9b: {  	v3 =	vld [tilespmem:$0x80];
	_ =	sdelay $0x4  }
0x9c: {  	v62 =	vshll.u32 v3, $0x2  }
0x9d: {  	v3 =	vand.u32 $0x7, v3;
	v4 =	vand.u32 $0xFFFFFFE0, v62  }
0x9e: {  	v3 =	vor.u32 v3, v4  }
0x9f: {  	v4 =	vperm.xlane v3, v0;
	_ =	sdelay $0x1  }
0xa0: {  	v4 =	vadd.s32 v1, v4;
	_ =	sdelay $0x1  }
0xa1: {  	v3 =	vperm.xlane v3, v2;
	_ =	sdelay $0x1  }
0xa2: {  	v3 =	vadd.s32 v1, v3  }
0xa3: {  	[tilespmem:s23], [sflag:$0x1] =	stream.indirect_vreg.gather [hbm4b:s2+s3], $0x80, v4, vm0, $0xb8;
	[tilespmem:$0x14100] =	vst v63  }
0xa4: {  	_ = 	snop  }
0xa5: {  	[tilespmem:s24], [sflag:$0x1] =	stream.indirect_vreg.gather [hbm4b:s4+s3], $0x80, v4, vm0, $0xb8;
	[tilespmem:$0x14100] =	vst v63  }
0xa6: {  	_ = 	snop  }
0xa7: {  	[tilespmem:s25], [sflag:$0x1] =	stream.indirect_vreg.gather [hbm4b:s2+s3], $0x80, v3, vm0, $0xb8;
	[tilespmem:$0x14100] =	vst v63  }
0xa8: {  	_ = 	snop  }
0xa9: {  	[tilespmem:s26], [sflag:$0x1] =	stream.indirect_vreg.gather [hbm4b:s4+s3], $0x80, v3, vm0, $0xb8;
	[tilespmem:$0x14100] =	vst v63  }
0xaa: {  	v3 =	vld [tilespmem:$0x90];
	_ =	sdelay $0x4  }
0xab: {  	v63 =	vshll.u32 v3, $0x2  }
0xac: {  	v3 =	vand.u32 $0x7, v3;
	v4 =	vand.u32 $0xFFFFFFE0, v63  }
0xad: {  	v3 =	vor.u32 v3, v4  }
0xae: {  	v4 =	vperm.xlane v3, v0;
	_ =	sdelay $0x1  }
0xaf: {  	v4 =	vadd.s32 v1, v4;
	_ =	sdelay $0x1  }
0xb0: {  	v3 =	vperm.xlane v3, v2;
	_ =	sdelay $0x1  }
0xb1: {  	v3 =	vadd.s32 v1, v3  }
0xb2: {  	[tilespmem:s28], [sflag:$0x1] =	stream.indirect_vreg.gather [hbm4b:s2+s3], $0x80, v4, vm0, $0xb8;
	[tilespmem:$0x14100] =	vst v63  }
0xb3: {  	_ = 	snop  }
0xb4: {  	[tilespmem:s29], [sflag:$0x1] =	stream.indirect_vreg.gather [hbm4b:s4+s3], $0x80, v4, vm0, $0xb8;
	[tilespmem:$0x14100] =	vst v63  }
0xb5: {  	_ = 	snop  }
0xb6: {  	[tilespmem:s30], [sflag:$0x1] =	stream.indirect_vreg.gather [hbm4b:s2+s3], $0x80, v3, vm0, $0xb8;
	[tilespmem:$0x14100] =	vst v63  }
0xb7: {  	_ = 	snop  }
0xb8: {  	[tilespmem:s31], [sflag:$0x1] =	stream.indirect_vreg.gather [hbm4b:s4+s3], $0x80, v3, vm0, $0xb8;
	[tilespmem:$0x14100] =	vst v63  }
0xb9: {  	_ =	swait.ge [sflag:s1], $0x14000  }
0xba: {  	p0 =	sne.s32 s5, $0x1;
	[sflag:s1] =	ssyncset.done $0x0  }
.Ltmp0:
0xbb: {  	s8 =	rddreg [dreg:$0x4];
	[sflag:s1] =	ssyncadd.s32 $0xFFFEC000;
	(pc) =	sbr.rel @p0 .LBB2_1-.Ltmp0, $4  }
0xbc: {  	[hbm4b:s8+s3] =	stream.linear.scatter [tilespmem:s7], [sflag:$0x2], $0x14000, $0x38;
	[tilespmem:$0x14100] =	vst v63  }
0xbd: {  	_ =	swait.ge [sflag:s6], $0x14000  }
0xbe: {  	[sflag:s6] =	ssyncset.done $0x0  }
0xbf: {  	s5 =	sadd.s32 $0xFFFFFFFF, s5;
	[sflag:s6] =	ssyncadd.s32 $0xFFFEC000  }
0xc0: {  	_ =	sfence.sel $0x180000  }
0xc1: {  	[bflag:$0x0] =	sbarrier.arrive $0xFFFF  }
0xc2: {  	_ =	strace $0x9000004A  }
0xc3: {  	s0 =	stileid.u32;
	[bflag:$0x2] =	sbarrier.arrive $0xFFFF  }
0xc4: {  	p0 =	sne.s32 s0, $0x0;
	s0 =	rddreg [dreg:$0x2]  }
0xc5: {  	s0 =	sadd.s32 @!p0 $0x100000, s0  }
0xc6: {  	[sflag:s0] =	ssyncadd.tile.s32 @!p0 $0x1;
	_ =	shalt  }
.Lfunc_end2:
_tile_overlayer_lowered:
.L_overlay_start_2:
0xc7: {  	(tag) =	ssettag $0x2  }
0xc8: {  	s0 =	rddreg [dreg:$0x0];
	s2 =	stileid.u32  }
0xc9: {  	s1 =	rddreg [dreg:$0x1];
	p0 =	sne.s32 s2, $0x0  }
0xca: {  	s3 =	rddreg [dreg:$0x2];
	[bflag:$0x3] =	sbarrier.arrive $0xFFFF;
	s2 =	simm.s32 @!p0 $0x1C02  }
0xcb: {  	[timem:s3], [sflag:s2] =	dma.local @!p0 [hbm:s0], s1  }
0xcc: {  	s0 =	simm.s32 @!p0 $0x2  }
0xcd: {  	_ =	swait.ge @!p0 [sflag:s0], s1  }
0xce: {  	s1 =	ssub.s32 @!p0 $0x0, s1;
	[sflag:s0] =	ssyncset.done @!p0 $0x0  }
0xcf: {  	[sflag:s0] =	ssyncadd.s32 @!p0 s1  }
0xd0: {  	[bflag:$0x3] =	sbarrier.arrive $0xFFFF  }
0xd1: {  	_ =	shalt  }

// kernel: _moe.15.cloned.1.call-start
scs
__scs_entry_jumppad:
0x0: {  	(pc) =	sbr.rel $0x88, $3  }
0x1: {  	(tag) =	ssettag $0x0;
	lr =	simm.s32 $0x1  }
0x2: {  	[smem:$0x3F99] =	sst lr;
	_ =	strace $0xD0000000  }
0x3: {  	_ = 	snop  }
0x4: {  	_ = 	snop  }
0x5: {  	_ = 	snop  }
0x6: {  	_ = 	snop  }
0x7: {  	_ = 	snop  }
__scs_overlays_trampoline_lowered:
0x8: {  	[smem:$0x3FA8] =	sst s0  }
0x9: {  	[smem:$0x3FA9] =	sst s1  }
0xa: {  	[smem:$0x3FAA] =	sst s2  }
0xb: {  	[smem:$0x3FAB] =	sst s3  }
0xc: {  	[smem:$0x3FAC] =	sst s4  }
0xd: {  	[smem:$0x3FAD] =	sst s5  }
0xe: {  	[smem:$0x3FAE] =	sst s6  }
0xf: {  	[smem:$0x3FAF] =	sst s7  }
0x10: {  	[smem:$0x3FB0] =	sst s8  }
0x11: {  	[smem:$0x3FB1] =	sst s9;
	s0 =	simm.s32 @!p0 $0x0  }
0x12: {  	s1 =	sld [smem:$0x3F97];
	s0 =	simm.s32 @p0 $0x1  }
0x13: {  	[smem:$0x3FB2] =	sst s0;
	s0 =	simm.s32 @!p1 $0x0  }
0x14: {  	s2 =	sld [smem:$0x3F96];
	s0 =	simm.s32 @p1 $0x1  }
0x15: {  	[smem:$0x3FB3] =	sst s0;
	s0 =	simm.s32 @!p2 $0x0  }
0x16: {  	s3 =	sld [smem:$0x3FDB];
	s0 =	simm.s32 @p2 $0x1  }
0x17: {  	s4 =	simm.s32 $0x1BF5;
	[smem:$0x3FB5] =	sst s0  }
0x18: {  	s0 =	sld [smem:$0x3F98];
	_ =	swait.ge [sflag:s4], $0x0  }
0x19: {  	s7 =	sld [smem:$0x3F99]  }
0x1a: {  	s8 =	sadd.s32 $0xFFFFE003, lr  }
0x1b: {  	s9 =	sadd.s32 $0xFFFFFEF7, lr;
	s5 =	simm.s32 $0xFFFFFFFF;
	p2 =	slt.u32 s8, $0xFFFFF086  }
0x1c: {  	p1 =	slt.u32 s9, $0xF7A;
	s5 =	simm.s32 @!p2 $0x0  }
0x1d: {  	s5 =	simm.s32 @p1 $0x1;
	p0 =	seq.s32 s7, s2  }
0x1e: {  	s7 =	smul.u32 @!p0 $0xF7A, s2;
	p2 =	seq.s32 @!p0 s5, $0x0  }
0x1f: {  	s9 =	smul.u32 $0xF7A, s1;
	s8 =	simm.s32 @!p0 $0x1BF5;
	p2 =	por !p2, p0  }
0x20: {  	[sflag:s8] =	ssyncset.s32 @!p0 $0xFFFFF086;
	s6 =	sadd.s32 @!p0 s3, s7;
	s7 =	simm.s32 @!p0 $0x108  }
0x21: {  	s3 =	sadd.s32 s3, s9;
	s6 =	sadd.s32 @!p0 $0x88, s6;
	s7 =	simm.s32 @p2 $0x1082  }
0x22: {  	[simem:s7], [sflag:s8] =	dma.local @!p0 [hbm:s6], $0xF7A  }
0x23: {  	s9 =	sor.u32 $0xD0000000, s2;
	s6 =	simm.s32 $0x108;
	_ =	swait.ge @!p0 [sflag:s8], $0x0  }
0x24: {  	s3 =	sadd.s32 $0x88, s3;
	s6 =	simm.s32 @!p1 $0x1082;
	[sflag:s4] =	ssyncset.s32 $0xFFFFF086  }
0x25: {  	[simem:s6], [sflag:s4] =	dma.local [hbm:s3], $0xF7A  }
0x26: {  	[smem:$0x3F99] =	sst s1;
	(tag) =	ssettag s2;
	_ =	strace s9  }
0x27: {  	s1 =	sld [smem:$0x3FA9]  }
0x28: {  	s2 =	sld [smem:$0x3FAA]  }
0x29: {  	s4 =	sld [smem:$0x3FAC]  }
0x2a: {  	p0 =	seq.s32 s5, $0x0;
	s5 =	sld [smem:$0x3FAD]  }
0x2b: {  	s6 =	sld [smem:$0x3FAE]  }
0x2c: {  	s7 =	sld [smem:$0x3FAF]  }
0x2d: {  	s3 =	simm.s32 $0x108;
	s8 =	sld [smem:$0x3FB0]  }
0x2e: {  	s3 =	simm.s32 @!p0 $0x1082;
	s9 =	sld [smem:$0x3FB1]  }
0x2f: {  	lr =	sadd.s32 s0, s3;
	s0 =	sld [smem:$0x3FA8]  }
0x30: {  	s3 =	sld [smem:$0x3FAB]  }
0x31: {  	[smem:$0x3FB4] =	sst s10  }
0x32: {  	s10 =	sld [smem:$0x3FB2];
	_ =	sdelay $0x3  }
0x33: {  	p0 =	seq.s32 s10, $0x1;
	s10 =	sld [smem:$0x3FB4];
	_ =	sdelay $0x3  }
0x34: {  	[smem:$0x3FB4] =	sst s10  }
0x35: {  	s10 =	sld [smem:$0x3FB3];
	_ =	sdelay $0x3  }
0x36: {  	p1 =	seq.s32 s10, $0x1;
	s10 =	sld [smem:$0x3FB4];
	_ =	sdelay $0x3  }
0x37: {  	[smem:$0x3FB4] =	sst s10  }
0x38: {  	s10 =	sld [smem:$0x3FB5]  }
0x39: {  	_ = 	snop;
	(pc) =	sbr.ind lr, $3  }
0x3a: {  	_ = 	snop  }
0x3b: {  	_ = 	snop  }
0x3c: {  	p2 =	seq.s32 s10, $0x1;
	s10 =	sld [smem:$0x3FB4]  }
0x3d: {  	_ =	shalt  }
0x3e: {  	_ =	shalt  }
0x3f: {  	_ =	shalt  }
0x40: {  	_ =	shalt  }
0x41: {  	_ =	shalt  }
0x42: {  	_ =	shalt  }
0x43: {  	_ =	shalt  }
0x44: {  	_ =	shalt  }
0x45: {  	_ =	shalt  }
0x46: {  	_ =	shalt  }
0x47: {  	_ =	shalt  }
0x48: {  	_ =	shalt  }
0x49: {  	_ =	shalt  }
0x4a: {  	_ =	shalt  }
0x4b: {  	_ =	shalt  }
0x4c: {  	_ =	shalt  }
0x4d: {  	_ =	shalt  }
0x4e: {  	_ =	shalt  }
0x4f: {  	_ =	shalt  }
0x50: {  	_ =	shalt  }
0x51: {  	_ =	shalt  }
0x52: {  	_ =	shalt  }
0x53: {  	_ =	shalt  }
0x54: {  	_ =	shalt  }
0x55: {  	_ =	shalt  }
0x56: {  	_ =	shalt  }
0x57: {  	_ =	shalt  }
0x58: {  	_ =	shalt  }
0x59: {  	_ =	shalt  }
0x5a: {  	_ =	shalt  }
0x5b: {  	_ =	shalt  }
0x5c: {  	_ =	shalt  }
0x5d: {  	_ =	shalt  }
0x5e: {  	_ =	shalt  }
0x5f: {  	_ =	shalt  }
0x60: {  	_ =	shalt  }
0x61: {  	_ =	shalt  }
0x62: {  	_ =	shalt  }
0x63: {  	_ =	shalt  }
0x64: {  	_ =	shalt  }
0x65: {  	_ =	shalt  }
0x66: {  	_ =	shalt  }
0x67: {  	_ =	shalt  }
0x68: {  	_ =	shalt  }
0x69: {  	_ =	shalt  }
0x6a: {  	_ =	shalt  }
0x6b: {  	_ =	shalt  }
0x6c: {  	_ =	shalt  }
0x6d: {  	_ =	shalt  }
0x6e: {  	_ =	shalt  }
0x6f: {  	_ =	shalt  }
0x70: {  	_ =	shalt  }
0x71: {  	_ =	shalt  }
0x72: {  	_ =	shalt  }
0x73: {  	_ =	shalt  }
0x74: {  	_ =	shalt  }
0x75: {  	_ =	shalt  }
0x76: {  	_ =	shalt  }
0x77: {  	_ =	shalt  }
0x78: {  	_ =	shalt  }
0x79: {  	_ =	shalt  }
0x7a: {  	_ =	shalt  }
0x7b: {  	_ =	shalt  }
0x7c: {  	_ =	shalt  }
0x7d: {  	_ =	shalt  }
0x7e: {  	_ =	shalt  }
0x7f: {  	_ =	shalt  }
0x80: {  	_ =	shalt  }
0x81: {  	_ =	shalt  }
0x82: {  	_ =	shalt  }
0x83: {  	_ =	shalt  }
0x84: {  	_ =	shalt  }
0x85: {  	_ =	shalt  }
0x86: {  	_ =	shalt  }
0x87: {  	_ =	shalt  }
.Lfunc_end0:
.L_simem_size_0:
called_computation.2_lowered:
.L_overlay_start_0:
0x88: {  	s2 =	sld [smem:$0x3FD9]  }
0x89: {  	s3 =	sld [smem:$0x3FFE];
	_ =	sdelay $0x1  }
0x8a: {  	s1 =	srdreg.scid  }
0x8b: {  	s0 =	sand.u32 $0x1, s1  }
0x8c: {  	s16 =	sshll.u32 s0, $0xA;
	s2 =	sadd.s32 s3, s2  }
0x8d: {  	s2 =	sadd.s32 s2, s16  }
0x8e: {  	[smem:$0x3FC0] =	sst s2  }
0x8f: {  	_ = 	snop  }
0x90: {  	(tm) =	ssettm $0x1  }
0x91: {  	s17 =	sld [smem:$0x3FFB];
	_ =	sdelay $0x3  }
0x92: {  	_ =	strace s17  }
0x93: {  	s2 =	sld [smem:$0x3FFC];
	_ =	sdelay $0x3  }
0x94: {  	_ =	strace s2  }
0x95: {  	s2 =	sld [smem:$0x3FFD];
	_ =	sdelay $0x3  }
0x96: {  	_ =	strace s2  }
0x97: {  	_ =	strace $0x8FFFFFFF  }
0x98: {  	s18 =	sld [smem:$0x3FDB];
	_ =	sdelay $0x1  }
0x99: {  	s19 =	simm.s32 $_scs_section_size  }
0x9a: {  	s4 =	simm.s32 $_size__tile_overlayer_lowered;
	s5 =	simm.s32 $_tile_overlayer_lowered  }
0x9b: {  	s22 =	simm.s32 $0x1BFF;
	s21 =	sshll.u32 s5, $0x1;
	s2 =	sadd.s32 s19, s18  }
0x9c: {  	s6 =	simm.s32 $0x0;
	s20 =	sshll.u32 s4, $0x1;
	s4 =	sadd.s32 s21, s2  }
0x9d: {  	[timem:s6], [sflag:s22] =	dma.local [hbm:s4], s20  }
0x9e: {  	_ =	swait.ge [sflag:s22], s20  }
0x9f: {  	s3 =	ssub.s32 $0x0, s20;
	[sflag:s22] =	ssyncset.done $0x0  }
0xa0: {  	[sflag:s22] =	ssyncadd.s32 s3;
	_ =	sdelay $0x1  }
0xa1: {  	s23 =	simm.s32 $0x1B8B  }
0xa2: {  	_ =	swait.ge [sflag:s23], $0x1  }
0xa3: {  	[sflag:s23] =	ssyncset.done $0x0  }
0xa4: {  	s25 =	simm.s32 $0x1B8E;
	s24 =	sld [smem:$0x3FFE];
	[sflag:s23] =	ssyncadd.s32 $0xFFFFFFFF  }
0xa5: {  	s26 =	simm.s32 $execute0_lowered;
	[smem:$0x3FD2] =	sst s25  }
0xa6: {  	s4 =	sshll.u32 s26, $0x1;
	_ =	strace $0x8000004C;
	[dreg:$0x1] =	wrdreg $0xFFFFFFFF  }
0xa7: {  	s28 =	simm.s32 $_size_execute0_lowered;
	s2 =	sadd.s32 s2, s4;
	[dreg:$0x0] =	wrdreg $0x0  }
0xa8: {  	s4 =	sshll.u32 s28, $0x1;
	[dreg:$0x2] =	wrdreg s2  }
0xa9: {  	[dreg:$0x3] =	wrdreg s4  }
0xaa: {  	[dreg:$0x4] =	wrdreg $0xC0  }
0xab: {  	_ =	task [dreg:s6], $0x5FFFF  }
0xac: {  	[dreg:$0x1] =	wrdreg $0xFFFFFFFF  }
0xad: {  	[dreg:$0x0] =	wrdreg $0x60  }
0xae: {  	[dreg:$0x2] =	wrdreg s24  }
0xaf: {  	[dreg:$0x3] =	wrdreg $0x9  }
0xb0: {  	_ =	task.clear_ibuf [dreg:s6], $0x4FFFF;
	_ =	strace $0x9000004C  }
0xb1: {  	s29 =	simm.s32 $0x9;
	_ =	strace $0x8000004E  }
0xb2: {  	_ =	swait.ge [sflag:s29], $0x1  }
0xb3: {  	[sflag:s29] =	ssyncadd.s32 $0xFFFFFFFF  }
0xb4: {  	_ =	strace $0x9000004E  }
0xb5: {  	_ =	sfence  }
0xb6: {  	s30 =	sld [smem:$0x0];
	_ =	sdelay $0x2  }
0xb7: {  	s31 =	sshll.u32 s1, $0xD;
	s1 =	sshrl.u32 s1, $0x2  }
0xb8: {  	s3 =	sand.u32 $0x4000, s31;
	s1 =	sadd.s32 s1, s30  }
0xb9: {  	s0 =	sor.u32 s3, s0;
	s1 =	sshll.u32 s1, $0x11  }
0xba: {  	s0 =	sor.u32 s1, s0  }
0xbb: {  	s0 =	sadd.s32 $0x8F2B, s0  }
0xbc: {  	[sflag:s0] =	ssyncadd.remote.s32 $0x1  }
0xbd: {  	_ =	sfence.sel $0xFFFF  }
0xbe: {  	[dreg:$0x0] =	wrdreg $0xFFFFFFFF;
	(pc) =	sbr.abs _section_cstart, $3  }
0xbf: {  	[dreg:$0x1] =	wrdreg $0xFFFFFFFF  }
0xc0: {  	_ =	task.clear_ibuf [dreg:s6], $0x2FFFF;
	_ =	strace $0x9FFFFFFF  }
0xc1: {  	(tm) =	ssettm $0x7FFFFFFF  }
tec
execute0_lowered:
.L_overlay_start_1:
0x0: {  	(tag) =	ssettag $0x1  }
0x1: {  	s1 =	srdreg.scid;
	s0 =	stileid.u32  }
0x2: {  	s1 =	sand.u32 $0x1, s1;
	s2 =	sshll.u32 s0, $0x1  }
0x3: {  	s4 =	rddreg [dreg:$0x0];
	s3 =	sor.u32 s1, s2;
	s2 =	simm.s32 $0x0  }
0x4: {  	s11 =	simm.s32 $0x900;
	[smem:$0x7FF] =	sst s2  }
0x5: {  	s12 =	simm.s32 $0x1100;
	_ =	strace $0x8000004D;
	[dreg:$0x4] =	wrdreg s11  }
0x6: {  	s13 =	simm.s32 $0x1900;
	[dreg:$0x5] =	wrdreg s12  }
0x7: {  	s14 =	simm.s32 $0x2100;
	s15 =	simm.s32 $0x2900;
	[dreg:$0x6] =	wrdreg s13  }
0x8: {  	s16 =	simm.s32 $0x3100;
	s17 =	simm.s32 $0x3900;
	[dreg:$0x7] =	wrdreg s14  }
0x9: {  	s18 =	simm.s32 $0x4100;
	s19 =	simm.s32 $0x4900;
	[dreg:$0x8] =	wrdreg s15  }
0xa: {  	s20 =	simm.s32 $0x5100;
	s21 =	simm.s32 $0x5900;
	[dreg:$0x9] =	wrdreg s16  }
0xb: {  	s22 =	simm.s32 $0x6100;
	s23 =	simm.s32 $0x6900;
	[dreg:$0xa] =	wrdreg s17  }
0xc: {  	s24 =	simm.s32 $0x7100;
	s25 =	simm.s32 $0x7900;
	[dreg:$0xb] =	wrdreg s18  }
0xd: {  	s26 =	simm.s32 $0x8100;
	s7 =	simm.s32 $0x100;
	[dreg:$0xc] =	wrdreg s19  }
0xe: {  	s9 =	simm.s32 $0x9100;
	s10 =	simm.s32 $0x9900;
	[dreg:$0xd] =	wrdreg s20  }
0xf: {  	s28 =	simm.s32 $0x12100;
	s29 =	simm.s32 $0x12900;
	[dreg:$0xe] =	wrdreg s21  }
0x10: {  	s30 =	simm.s32 $0x13100;
	s31 =	simm.s32 $0x13900;
	[dreg:$0xf] =	wrdreg s22  }
0x11: {  	s1 =	ssub.s32 $0x2, s1;
	s5 =	smul.u32 $0x14, s3;
	[dreg:$0x10] =	wrdreg s23  }
0x12: {  	s3 =	smul.u32 $0x2800, s3;
	s6 =	sshrl.u32 s1, $0x1;
	[dreg:$0x11] =	wrdreg s24  }
0x13: {  	s1 =	ssub.s32 s1, s6;
	[dreg:$0x12] =	wrdreg s25;
	s6 =	simm.s32 $0x2  }
0x14: {  	[dreg:$0x13] =	wrdreg s26;
	s11 =	simm.s32 $0xA100;
	s12 =	simm.s32 $0xA900  }
0x15: {  	s13 =	simm.s32 $0xB100;
	s14 =	simm.s32 $0xB900;
	s15 =	simm.s32 $0xC100  }
0x16: {  	s16 =	simm.s32 $0xC900;
	s17 =	simm.s32 $0xD100;
	s18 =	simm.s32 $0xD900  }
0x17: {  	s19 =	simm.s32 $0xE100;
	s20 =	simm.s32 $0xE900;
	s21 =	simm.s32 $0xF100  }
0x18: {  	s22 =	simm.s32 $0xF900;
	s23 =	simm.s32 $0x10100;
	s5 =	sadd.s32 s5, s4  }
0x19: {  	s24 =	simm.s32 $0x10900;
	s3 =	sadd.s32 s3, s4;
	s5 =	sadd.s32 $0x3A00, s5  }
0x1a: {  	v2 =	vlaneseq.u32;
	s25 =	simm.s32 $0x11100;
	s3 =	sadd.s32 $0x3E00, s3;
	[dreg:$0x2] =	wrdreg s5  }
0x1b: {  	vm0 =	vmmov $0xffff;
	v1 =	vshrl.u32 v2, $0x3;
	s26 =	simm.s32 $0x11900;
	[dreg:$0x3] =	wrdreg s3;
	s3 =	sadd.s32 $0x53E00, s4  }
0x1c: {  	v0 =	vand.u32 $0x7, v2;
	v2 =	vor.u32 $0x8, v2;
	v1 =	vmul.u32 $0x8, v1;
	s4 =	sadd.s32 $0x53F00, s4;
	s5 =	smax.u32 s1, $0x1;
	s1 =	simm.s32 $0x1  }
.LBB2_1:
0x1d: {  	s0 =	rddreg [dreg:$0x2]  }
0x1e: {  	[tilespmem:s2], [sflag:$0x2] =	stream.linear.gather [hbm4b:s0+s2], $0xA0, $0x38;
	[tilespmem:$0x14100] =	vst v63  }
0x1f: {  	_ =	swait.ge [sflag:s6], $0xA0  }
0x20: {  	[sflag:s6] =	ssyncset.done $0x0  }
0x21: {  	s8 =	rddreg [dreg:$0x3];
	[sflag:s6] =	ssyncadd.s32 $0xFFFFFF60  }
0x22: {  	[tilespmem:s7], [sflag:$0x2] =	stream.linear.gather [hbm4b:s8+s2], $0x14000, $0x38;
	[tilespmem:$0x14100] =	vst v63  }
0x23: {  	_ =	swait.ge [sflag:s6], $0x14000  }
0x24: {  	[sflag:s6] =	ssyncset.done $0x0  }
0x25: {  	[sflag:s6] =	ssyncadd.s32 $0xFFFEC000  }
0x26: {  	v3 =	vld [tilespmem:$0x0];
	_ =	sdelay $0x4  }
0x27: {  	v4 =	vshll.u32 v3, $0x2  }
0x28: {  	v3 =	vand.u32 $0x7, v3;
	v4 =	vand.u32 $0xFFFFFFE0, v4  }
0x29: {  	v3 =	vor.u32 v3, v4  }
0x2a: {  	v4 =	vperm.xlane v3, v0;
	_ =	sdelay $0x1  }
0x2b: {  	v4 =	vadd.s32 v1, v4;
	_ =	sdelay $0x1  }
0x2c: {  	v3 =	vperm.xlane v3, v2;
	_ =	sdelay $0x1  }
0x2d: {  	v3 =	vadd.s32 v1, v3  }
0x2e: {  	[hbm4b:s3+s2] =	stream.indirect_vreg.scatter [tilespmem:s7], [sflag:$0x1], $0x80, v4, vm0, $0xb8;
	[tilespmem:$0x14100] =	vst v63  }
0x2f: {  	s0 =	rddreg [dreg:$0x4]  }
0x30: {  	[hbm4b:s4+s2] =	stream.indirect_vreg.scatter [tilespmem:s0], [sflag:$0x1], $0x80, v4, vm0, $0xb8;
	[tilespmem:$0x14100] =	vst v63  }
0x31: {  	s8 =	rddreg [dreg:$0x5]  }
0x32: {  	[hbm4b:s3+s2] =	stream.indirect_vreg.scatter [tilespmem:s8], [sflag:$0x1], $0x80, v3, vm0, $0xb8;
	[tilespmem:$0x14100] =	vst v63  }
0x33: {  	s0 =	rddreg [dreg:$0x6]  }
0x34: {  	[hbm4b:s4+s2] =	stream.indirect_vreg.scatter [tilespmem:s0], [sflag:$0x1], $0x80, v3, vm0, $0xb8;
	[tilespmem:$0x14100] =	vst v63  }
0x35: {  	v3 =	vld [tilespmem:$0x10];
	_ =	sdelay $0x4  }
0x36: {  	v55 =	vshll.u32 v3, $0x2  }
0x37: {  	v3 =	vand.u32 $0x7, v3;
	v4 =	vand.u32 $0xFFFFFFE0, v55  }
0x38: {  	v3 =	vor.u32 v3, v4  }
0x39: {  	v4 =	vperm.xlane v3, v0;
	_ =	sdelay $0x1  }
0x3a: {  	v4 =	vadd.s32 v1, v4;
	_ =	sdelay $0x1  }
0x3b: {  	v3 =	vperm.xlane v3, v2;
	_ =	sdelay $0x1  }
0x3c: {  	s0 =	rddreg [dreg:$0x7];
	v3 =	vadd.s32 v1, v3  }
0x3d: {  	[hbm4b:s3+s2] =	stream.indirect_vreg.scatter [tilespmem:s0], [sflag:$0x1], $0x80, v4, vm0, $0xb8;
	[tilespmem:$0x14100] =	vst v63  }
0x3e: {  	s8 =	rddreg [dreg:$0x8]  }
0x3f: {  	[hbm4b:s4+s2] =	stream.indirect_vreg.scatter [tilespmem:s8], [sflag:$0x1], $0x80, v4, vm0, $0xb8;
	[tilespmem:$0x14100] =	vst v63  }
0x40: {  	s0 =	rddreg [dreg:$0x9]  }
0x41: {  	[hbm4b:s3+s2] =	stream.indirect_vreg.scatter [tilespmem:s0], [sflag:$0x1], $0x80, v3, vm0, $0xb8;
	[tilespmem:$0x14100] =	vst v63  }
0x42: {  	s8 =	rddreg [dreg:$0xa]  }
0x43: {  	[hbm4b:s4+s2] =	stream.indirect_vreg.scatter [tilespmem:s8], [sflag:$0x1], $0x80, v3, vm0, $0xb8;
	[tilespmem:$0x14100] =	vst v63  }
0x44: {  	v3 =	vld [tilespmem:$0x20];
	_ =	sdelay $0x4  }
0x45: {  	v56 =	vshll.u32 v3, $0x2  }
0x46: {  	v3 =	vand.u32 $0x7, v3;
	v4 =	vand.u32 $0xFFFFFFE0, v56  }
0x47: {  	v3 =	vor.u32 v3, v4  }
0x48: {  	v4 =	vperm.xlane v3, v0;
	_ =	sdelay $0x1  }
0x49: {  	v4 =	vadd.s32 v1, v4;
	_ =	sdelay $0x1  }
0x4a: {  	v3 =	vperm.xlane v3, v2;
	_ =	sdelay $0x1  }
0x4b: {  	s0 =	rddreg [dreg:$0xb];
	v3 =	vadd.s32 v1, v3  }
0x4c: {  	[hbm4b:s3+s2] =	stream.indirect_vreg.scatter [tilespmem:s0], [sflag:$0x1], $0x80, v4, vm0, $0xb8;
	[tilespmem:$0x14100] =	vst v63  }
0x4d: {  	s8 =	rddreg [dreg:$0xc]  }
0x4e: {  	[hbm4b:s4+s2] =	stream.indirect_vreg.scatter [tilespmem:s8], [sflag:$0x1], $0x80, v4, vm0, $0xb8;
	[tilespmem:$0x14100] =	vst v63  }
0x4f: {  	s0 =	rddreg [dreg:$0xd]  }
0x50: {  	[hbm4b:s3+s2] =	stream.indirect_vreg.scatter [tilespmem:s0], [sflag:$0x1], $0x80, v3, vm0, $0xb8;
	[tilespmem:$0x14100] =	vst v63  }
0x51: {  	s8 =	rddreg [dreg:$0xe]  }
0x52: {  	[hbm4b:s4+s2] =	stream.indirect_vreg.scatter [tilespmem:s8], [sflag:$0x1], $0x80, v3, vm0, $0xb8;
	[tilespmem:$0x14100] =	vst v63  }
0x53: {  	v3 =	vld [tilespmem:$0x30];
	_ =	sdelay $0x4  }
0x54: {  	v57 =	vshll.u32 v3, $0x2  }
0x55: {  	v3 =	vand.u32 $0x7, v3;
	v4 =	vand.u32 $0xFFFFFFE0, v57  }
0x56: {  	v3 =	vor.u32 v3, v4  }
0x57: {  	v4 =	vperm.xlane v3, v0;
	_ =	sdelay $0x1  }
0x58: {  	v4 =	vadd.s32 v1, v4;
	_ =	sdelay $0x1  }
0x59: {  	v3 =	vperm.xlane v3, v2;
	_ =	sdelay $0x1  }
0x5a: {  	s0 =	rddreg [dreg:$0xf];
	v3 =	vadd.s32 v1, v3  }
0x5b: {  	[hbm4b:s3+s2] =	stream.indirect_vreg.scatter [tilespmem:s0], [sflag:$0x1], $0x80, v4, vm0, $0xb8;
	[tilespmem:$0x14100] =	vst v63  }
0x5c: {  	s8 =	rddreg [dreg:$0x10]  }
0x5d: {  	[hbm4b:s4+s2] =	stream.indirect_vreg.scatter [tilespmem:s8], [sflag:$0x1], $0x80, v4, vm0, $0xb8;
	[tilespmem:$0x14100] =	vst v63  }
0x5e: {  	s0 =	rddreg [dreg:$0x11]  }
0x5f: {  	[hbm4b:s3+s2] =	stream.indirect_vreg.scatter [tilespmem:s0], [sflag:$0x1], $0x80, v3, vm0, $0xb8;
	[tilespmem:$0x14100] =	vst v63  }
0x60: {  	s8 =	rddreg [dreg:$0x12]  }
0x61: {  	[hbm4b:s4+s2] =	stream.indirect_vreg.scatter [tilespmem:s8], [sflag:$0x1], $0x80, v3, vm0, $0xb8;
	[tilespmem:$0x14100] =	vst v63  }
0x62: {  	v3 =	vld [tilespmem:$0x40];
	_ =	sdelay $0x4  }
0x63: {  	v58 =	vshll.u32 v3, $0x2  }
0x64: {  	v3 =	vand.u32 $0x7, v3;
	v4 =	vand.u32 $0xFFFFFFE0, v58  }
0x65: {  	v3 =	vor.u32 v3, v4  }
0x66: {  	v4 =	vperm.xlane v3, v0;
	_ =	sdelay $0x1  }
0x67: {  	v4 =	vadd.s32 v1, v4;
	_ =	sdelay $0x1  }
0x68: {  	v3 =	vperm.xlane v3, v2;
	_ =	sdelay $0x1  }
0x69: {  	s8 =	rddreg [dreg:$0x13];
	v3 =	vadd.s32 v1, v3  }
0x6a: {  	[hbm4b:s3+s2] =	stream.indirect_vreg.scatter [tilespmem:s8], [sflag:$0x1], $0x80, v4, vm0, $0xb8;
	[tilespmem:$0x14100] =	vst v63  }
0x6b: {  	s8 =	simm.s32 $0x8900  }
0x6c: {  	[hbm4b:s4+s2] =	stream.indirect_vreg.scatter [tilespmem:s8], [sflag:$0x1], $0x80, v4, vm0, $0xb8;
	[tilespmem:$0x14100] =	vst v63  }
0x6d: {  	_ = 	snop  }
0x6e: {  	[hbm4b:s3+s2] =	stream.indirect_vreg.scatter [tilespmem:s9], [sflag:$0x1], $0x80, v3, vm0, $0xb8;
	[tilespmem:$0x14100] =	vst v63  }
0x6f: {  	_ = 	snop  }
0x70: {  	[hbm4b:s4+s2] =	stream.indirect_vreg.scatter [tilespmem:s10], [sflag:$0x1], $0x80, v3, vm0, $0xb8;
	[tilespmem:$0x14100] =	vst v63  }
0x71: {  	v3 =	vld [tilespmem:$0x50];
	_ =	sdelay $0x4  }
0x72: {  	v59 =	vshll.u32 v3, $0x2  }
0x73: {  	v3 =	vand.u32 $0x7, v3;
	v4 =	vand.u32 $0xFFFFFFE0, v59  }
0x74: {  	v3 =	vor.u32 v3, v4  }
0x75: {  	v4 =	vperm.xlane v3, v0;
	_ =	sdelay $0x1  }
0x76: {  	v4 =	vadd.s32 v1, v4;
	_ =	sdelay $0x1  }
0x77: {  	v3 =	vperm.xlane v3, v2;
	_ =	sdelay $0x1  }
0x78: {  	v3 =	vadd.s32 v1, v3  }
0x79: {  	[hbm4b:s3+s2] =	stream.indirect_vreg.scatter [tilespmem:s11], [sflag:$0x1], $0x80, v4, vm0, $0xb8;
	[tilespmem:$0x14100] =	vst v63  }
0x7a: {  	_ = 	snop  }
0x7b: {  	[hbm4b:s4+s2] =	stream.indirect_vreg.scatter [tilespmem:s12], [sflag:$0x1], $0x80, v4, vm0, $0xb8;
	[tilespmem:$0x14100] =	vst v63  }
0x7c: {  	_ = 	snop  }
0x7d: {  	[hbm4b:s3+s2] =	stream.indirect_vreg.scatter [tilespmem:s13], [sflag:$0x1], $0x80, v3, vm0, $0xb8;
	[tilespmem:$0x14100] =	vst v63  }
0x7e: {  	_ = 	snop  }
0x7f: {  	[hbm4b:s4+s2] =	stream.indirect_vreg.scatter [tilespmem:s14], [sflag:$0x1], $0x80, v3, vm0, $0xb8;
	[tilespmem:$0x14100] =	vst v63  }
0x80: {  	v3 =	vld [tilespmem:$0x60];
	_ =	sdelay $0x4  }
0x81: {  	v60 =	vshll.u32 v3, $0x2  }
0x82: {  	v3 =	vand.u32 $0x7, v3;
	v4 =	vand.u32 $0xFFFFFFE0, v60  }
0x83: {  	v3 =	vor.u32 v3, v4  }
0x84: {  	v4 =	vperm.xlane v3, v0;
	_ =	sdelay $0x1  }
0x85: {  	v4 =	vadd.s32 v1, v4;
	_ =	sdelay $0x1  }
0x86: {  	v3 =	vperm.xlane v3, v2;
	_ =	sdelay $0x1  }
0x87: {  	v3 =	vadd.s32 v1, v3  }
0x88: {  	[hbm4b:s3+s2] =	stream.indirect_vreg.scatter [tilespmem:s15], [sflag:$0x1], $0x80, v4, vm0, $0xb8;
	[tilespmem:$0x14100] =	vst v63  }
0x89: {  	_ = 	snop  }
0x8a: {  	[hbm4b:s4+s2] =	stream.indirect_vreg.scatter [tilespmem:s16], [sflag:$0x1], $0x80, v4, vm0, $0xb8;
	[tilespmem:$0x14100] =	vst v63  }
0x8b: {  	_ = 	snop  }
0x8c: {  	[hbm4b:s3+s2] =	stream.indirect_vreg.scatter [tilespmem:s17], [sflag:$0x1], $0x80, v3, vm0, $0xb8;
	[tilespmem:$0x14100] =	vst v63  }
0x8d: {  	_ = 	snop  }
0x8e: {  	[hbm4b:s4+s2] =	stream.indirect_vreg.scatter [tilespmem:s18], [sflag:$0x1], $0x80, v3, vm0, $0xb8;
	[tilespmem:$0x14100] =	vst v63  }
0x8f: {  	v3 =	vld [tilespmem:$0x70];
	_ =	sdelay $0x4  }
0x90: {  	v61 =	vshll.u32 v3, $0x2  }
0x91: {  	v3 =	vand.u32 $0x7, v3;
	v4 =	vand.u32 $0xFFFFFFE0, v61  }
0x92: {  	v3 =	vor.u32 v3, v4  }
0x93: {  	v4 =	vperm.xlane v3, v0;
	_ =	sdelay $0x1  }
0x94: {  	v4 =	vadd.s32 v1, v4;
	_ =	sdelay $0x1  }
0x95: {  	v3 =	vperm.xlane v3, v2;
	_ =	sdelay $0x1  }
0x96: {  	v3 =	vadd.s32 v1, v3  }
0x97: {  	[hbm4b:s3+s2] =	stream.indirect_vreg.scatter [tilespmem:s19], [sflag:$0x1], $0x80, v4, vm0, $0xb8;
	[tilespmem:$0x14100] =	vst v63  }
0x98: {  	_ = 	snop  }
0x99: {  	[hbm4b:s4+s2] =	stream.indirect_vreg.scatter [tilespmem:s20], [sflag:$0x1], $0x80, v4, vm0, $0xb8;
	[tilespmem:$0x14100] =	vst v63  }
0x9a: {  	_ = 	snop  }
0x9b: {  	[hbm4b:s3+s2] =	stream.indirect_vreg.scatter [tilespmem:s21], [sflag:$0x1], $0x80, v3, vm0, $0xb8;
	[tilespmem:$0x14100] =	vst v63  }
0x9c: {  	_ = 	snop  }
0x9d: {  	[hbm4b:s4+s2] =	stream.indirect_vreg.scatter [tilespmem:s22], [sflag:$0x1], $0x80, v3, vm0, $0xb8;
	[tilespmem:$0x14100] =	vst v63  }
0x9e: {  	v3 =	vld [tilespmem:$0x80];
	_ =	sdelay $0x4  }
0x9f: {  	v62 =	vshll.u32 v3, $0x2  }
0xa0: {  	v3 =	vand.u32 $0x7, v3;
	v4 =	vand.u32 $0xFFFFFFE0, v62  }
0xa1: {  	v3 =	vor.u32 v3, v4  }
0xa2: {  	v4 =	vperm.xlane v3, v0;
	_ =	sdelay $0x1  }
0xa3: {  	v4 =	vadd.s32 v1, v4;
	_ =	sdelay $0x1  }
0xa4: {  	v3 =	vperm.xlane v3, v2;
	_ =	sdelay $0x1  }
0xa5: {  	v3 =	vadd.s32 v1, v3  }
0xa6: {  	[hbm4b:s3+s2] =	stream.indirect_vreg.scatter [tilespmem:s23], [sflag:$0x1], $0x80, v4, vm0, $0xb8;
	[tilespmem:$0x14100] =	vst v63  }
0xa7: {  	_ = 	snop  }
0xa8: {  	[hbm4b:s4+s2] =	stream.indirect_vreg.scatter [tilespmem:s24], [sflag:$0x1], $0x80, v4, vm0, $0xb8;
	[tilespmem:$0x14100] =	vst v63  }
0xa9: {  	_ = 	snop  }
0xaa: {  	[hbm4b:s3+s2] =	stream.indirect_vreg.scatter [tilespmem:s25], [sflag:$0x1], $0x80, v3, vm0, $0xb8;
	[tilespmem:$0x14100] =	vst v63  }
0xab: {  	_ = 	snop  }
0xac: {  	[hbm4b:s4+s2] =	stream.indirect_vreg.scatter [tilespmem:s26], [sflag:$0x1], $0x80, v3, vm0, $0xb8;
	[tilespmem:$0x14100] =	vst v63  }
0xad: {  	v3 =	vld [tilespmem:$0x90];
	_ =	sdelay $0x4  }
0xae: {  	v63 =	vshll.u32 v3, $0x2  }
0xaf: {  	v3 =	vand.u32 $0x7, v3;
	v4 =	vand.u32 $0xFFFFFFE0, v63  }
0xb0: {  	v3 =	vor.u32 v3, v4  }
0xb1: {  	v4 =	vperm.xlane v3, v0;
	_ =	sdelay $0x1  }
0xb2: {  	v4 =	vadd.s32 v1, v4;
	_ =	sdelay $0x1  }
0xb3: {  	v3 =	vperm.xlane v3, v2;
	_ =	sdelay $0x1  }
0xb4: {  	v3 =	vadd.s32 v1, v3  }
0xb5: {  	[hbm4b:s3+s2] =	stream.indirect_vreg.scatter [tilespmem:s28], [sflag:$0x1], $0x80, v4, vm0, $0xb8;
	[tilespmem:$0x14100] =	vst v63  }
0xb6: {  	_ = 	snop  }
0xb7: {  	[hbm4b:s4+s2] =	stream.indirect_vreg.scatter [tilespmem:s29], [sflag:$0x1], $0x80, v4, vm0, $0xb8;
	[tilespmem:$0x14100] =	vst v63  }
0xb8: {  	p0 =	sne.s32 s5, $0x1  }
0xb9: {  	[hbm4b:s3+s2] =	stream.indirect_vreg.scatter [tilespmem:s30], [sflag:$0x1], $0x80, v3, vm0, $0xb8;
	[tilespmem:$0x14100] =	vst v63  }
.Ltmp0:
0xba: {  	_ = 	snop;
	(pc) =	sbr.rel @p0 .LBB2_1-.Ltmp0, $4  }
0xbb: {  	[hbm4b:s4+s2] =	stream.indirect_vreg.scatter [tilespmem:s31], [sflag:$0x1], $0x80, v3, vm0, $0xb8;
	[tilespmem:$0x14100] =	vst v63  }
0xbc: {  	_ =	swait.ge [sflag:s1], $0x14000  }
0xbd: {  	[sflag:s1] =	ssyncset.done $0x0  }
0xbe: {  	s5 =	sadd.s32 $0xFFFFFFFF, s5;
	[sflag:s1] =	ssyncadd.s32 $0xFFFEC000  }
0xbf: {  	_ =	sfence.sel $0x180000  }
0xc0: {  	[bflag:$0x0] =	sbarrier.arrive $0xFFFF  }
0xc1: {  	_ =	strace $0x9000004D  }
0xc2: {  	s0 =	stileid.u32;
	[bflag:$0x2] =	sbarrier.arrive $0xFFFF  }
0xc3: {  	p0 =	sne.s32 s0, $0x0;
	s0 =	rddreg [dreg:$0x1]  }
0xc4: {  	s0 =	sadd.s32 @!p0 $0x100000, s0  }
0xc5: {  	[sflag:s0] =	ssyncadd.tile.s32 @!p0 $0x1;
	_ =	shalt  }
.Lfunc_end2:
_tile_overlayer_lowered:
.L_overlay_start_2:
0xc6: {  	(tag) =	ssettag $0x2  }
0xc7: {  	s0 =	rddreg [dreg:$0x0];
	s2 =	stileid.u32  }
0xc8: {  	s1 =	rddreg [dreg:$0x1];
	p0 =	sne.s32 s2, $0x0  }
0xc9: {  	s3 =	rddreg [dreg:$0x2];
	[bflag:$0x3] =	sbarrier.arrive $0xFFFF;
	s2 =	simm.s32 @!p0 $0x1C02  }
0xca: {  	[timem:s3], [sflag:s2] =	dma.local @!p0 [hbm:s0], s1  }
0xcb: {  	s0 =	simm.s32 @!p0 $0x2  }
0xcc: {  	_ =	swait.ge @!p0 [sflag:s0], s1  }
0xcd: {  	s1 =	ssub.s32 @!p0 $0x0, s1;
	[sflag:s0] =	ssyncset.done @!p0 $0x0  }
0xce: {  	[sflag:s0] =	ssyncadd.s32 @!p0 s1  }
0xcf: {  	[bflag:$0x3] =	sbarrier.arrive $0xFFFF  }
0xd0: {  	_ =	shalt  }

// kernel: _moe.9.cloned.1.call-start
scs
__scs_entry_jumppad:
0x0: {  	(pc) =	sbr.rel $0x88, $3  }
0x1: {  	(tag) =	ssettag $0x0;
	lr =	simm.s32 $0x1  }
0x2: {  	[smem:$0x3F99] =	sst lr;
	_ =	strace $0xD0000000  }
0x3: {  	_ = 	snop  }
0x4: {  	_ = 	snop  }
0x5: {  	_ = 	snop  }
0x6: {  	_ = 	snop  }
0x7: {  	_ = 	snop  }
__scs_overlays_trampoline_lowered:
0x8: {  	[smem:$0x3FA8] =	sst s0  }
0x9: {  	[smem:$0x3FA9] =	sst s1  }
0xa: {  	[smem:$0x3FAA] =	sst s2  }
0xb: {  	[smem:$0x3FAB] =	sst s3  }
0xc: {  	[smem:$0x3FAC] =	sst s4  }
0xd: {  	[smem:$0x3FAD] =	sst s5  }
0xe: {  	[smem:$0x3FAE] =	sst s6  }
0xf: {  	[smem:$0x3FAF] =	sst s7  }
0x10: {  	[smem:$0x3FB0] =	sst s8  }
0x11: {  	[smem:$0x3FB1] =	sst s9;
	s0 =	simm.s32 @!p0 $0x0  }
0x12: {  	s1 =	sld [smem:$0x3F97];
	s0 =	simm.s32 @p0 $0x1  }
0x13: {  	[smem:$0x3FB2] =	sst s0;
	s0 =	simm.s32 @!p1 $0x0  }
0x14: {  	s2 =	sld [smem:$0x3F96];
	s0 =	simm.s32 @p1 $0x1  }
0x15: {  	[smem:$0x3FB3] =	sst s0;
	s0 =	simm.s32 @!p2 $0x0  }
0x16: {  	s3 =	sld [smem:$0x3FDB];
	s0 =	simm.s32 @p2 $0x1  }
0x17: {  	s4 =	simm.s32 $0x1BF5;
	[smem:$0x3FB5] =	sst s0  }
0x18: {  	s0 =	sld [smem:$0x3F98];
	_ =	swait.ge [sflag:s4], $0x0  }
0x19: {  	s7 =	sld [smem:$0x3F99]  }
0x1a: {  	s8 =	sadd.s32 $0xFFFFE003, lr  }
0x1b: {  	s9 =	sadd.s32 $0xFFFFFEF7, lr;
	s5 =	simm.s32 $0xFFFFFFFF;
	p2 =	slt.u32 s8, $0xFFFFF086  }
0x1c: {  	p1 =	slt.u32 s9, $0xF7A;
	s5 =	simm.s32 @!p2 $0x0  }
0x1d: {  	s5 =	simm.s32 @p1 $0x1;
	p0 =	seq.s32 s7, s2  }
0x1e: {  	s7 =	smul.u32 @!p0 $0xF7A, s2;
	p2 =	seq.s32 @!p0 s5, $0x0  }
0x1f: {  	s9 =	smul.u32 $0xF7A, s1;
	s8 =	simm.s32 @!p0 $0x1BF5;
	p2 =	por !p2, p0  }
0x20: {  	[sflag:s8] =	ssyncset.s32 @!p0 $0xFFFFF086;
	s6 =	sadd.s32 @!p0 s3, s7;
	s7 =	simm.s32 @!p0 $0x108  }
0x21: {  	s3 =	sadd.s32 s3, s9;
	s6 =	sadd.s32 @!p0 $0x88, s6;
	s7 =	simm.s32 @p2 $0x1082  }
0x22: {  	[simem:s7], [sflag:s8] =	dma.local @!p0 [hbm:s6], $0xF7A  }
0x23: {  	s9 =	sor.u32 $0xD0000000, s2;
	s6 =	simm.s32 $0x108;
	_ =	swait.ge @!p0 [sflag:s8], $0x0  }
0x24: {  	s3 =	sadd.s32 $0x88, s3;
	s6 =	simm.s32 @!p1 $0x1082;
	[sflag:s4] =	ssyncset.s32 $0xFFFFF086  }
0x25: {  	[simem:s6], [sflag:s4] =	dma.local [hbm:s3], $0xF7A  }
0x26: {  	[smem:$0x3F99] =	sst s1;
	(tag) =	ssettag s2;
	_ =	strace s9  }
0x27: {  	s1 =	sld [smem:$0x3FA9]  }
0x28: {  	s2 =	sld [smem:$0x3FAA]  }
0x29: {  	s4 =	sld [smem:$0x3FAC]  }
0x2a: {  	p0 =	seq.s32 s5, $0x0;
	s5 =	sld [smem:$0x3FAD]  }
0x2b: {  	s6 =	sld [smem:$0x3FAE]  }
0x2c: {  	s7 =	sld [smem:$0x3FAF]  }
0x2d: {  	s3 =	simm.s32 $0x108;
	s8 =	sld [smem:$0x3FB0]  }
0x2e: {  	s3 =	simm.s32 @!p0 $0x1082;
	s9 =	sld [smem:$0x3FB1]  }
0x2f: {  	lr =	sadd.s32 s0, s3;
	s0 =	sld [smem:$0x3FA8]  }
0x30: {  	s3 =	sld [smem:$0x3FAB]  }
0x31: {  	[smem:$0x3FB4] =	sst s10  }
0x32: {  	s10 =	sld [smem:$0x3FB2];
	_ =	sdelay $0x3  }
0x33: {  	p0 =	seq.s32 s10, $0x1;
	s10 =	sld [smem:$0x3FB4];
	_ =	sdelay $0x3  }
0x34: {  	[smem:$0x3FB4] =	sst s10  }
0x35: {  	s10 =	sld [smem:$0x3FB3];
	_ =	sdelay $0x3  }
0x36: {  	p1 =	seq.s32 s10, $0x1;
	s10 =	sld [smem:$0x3FB4];
	_ =	sdelay $0x3  }
0x37: {  	[smem:$0x3FB4] =	sst s10  }
0x38: {  	s10 =	sld [smem:$0x3FB5]  }
0x39: {  	_ = 	snop;
	(pc) =	sbr.ind lr, $3  }
0x3a: {  	_ = 	snop  }
0x3b: {  	_ = 	snop  }
0x3c: {  	p2 =	seq.s32 s10, $0x1;
	s10 =	sld [smem:$0x3FB4]  }
0x3d: {  	_ =	shalt  }
0x3e: {  	_ =	shalt  }
0x3f: {  	_ =	shalt  }
0x40: {  	_ =	shalt  }
0x41: {  	_ =	shalt  }
0x42: {  	_ =	shalt  }
0x43: {  	_ =	shalt  }
0x44: {  	_ =	shalt  }
0x45: {  	_ =	shalt  }
0x46: {  	_ =	shalt  }
0x47: {  	_ =	shalt  }
0x48: {  	_ =	shalt  }
0x49: {  	_ =	shalt  }
0x4a: {  	_ =	shalt  }
0x4b: {  	_ =	shalt  }
0x4c: {  	_ =	shalt  }
0x4d: {  	_ =	shalt  }
0x4e: {  	_ =	shalt  }
0x4f: {  	_ =	shalt  }
0x50: {  	_ =	shalt  }
0x51: {  	_ =	shalt  }
0x52: {  	_ =	shalt  }
0x53: {  	_ =	shalt  }
0x54: {  	_ =	shalt  }
0x55: {  	_ =	shalt  }
0x56: {  	_ =	shalt  }
0x57: {  	_ =	shalt  }
0x58: {  	_ =	shalt  }
0x59: {  	_ =	shalt  }
0x5a: {  	_ =	shalt  }
0x5b: {  	_ =	shalt  }
0x5c: {  	_ =	shalt  }
0x5d: {  	_ =	shalt  }
0x5e: {  	_ =	shalt  }
0x5f: {  	_ =	shalt  }
0x60: {  	_ =	shalt  }
0x61: {  	_ =	shalt  }
0x62: {  	_ =	shalt  }
0x63: {  	_ =	shalt  }
0x64: {  	_ =	shalt  }
0x65: {  	_ =	shalt  }
0x66: {  	_ =	shalt  }
0x67: {  	_ =	shalt  }
0x68: {  	_ =	shalt  }
0x69: {  	_ =	shalt  }
0x6a: {  	_ =	shalt  }
0x6b: {  	_ =	shalt  }
0x6c: {  	_ =	shalt  }
0x6d: {  	_ =	shalt  }
0x6e: {  	_ =	shalt  }
0x6f: {  	_ =	shalt  }
0x70: {  	_ =	shalt  }
0x71: {  	_ =	shalt  }
0x72: {  	_ =	shalt  }
0x73: {  	_ =	shalt  }
0x74: {  	_ =	shalt  }
0x75: {  	_ =	shalt  }
0x76: {  	_ =	shalt  }
0x77: {  	_ =	shalt  }
0x78: {  	_ =	shalt  }
0x79: {  	_ =	shalt  }
0x7a: {  	_ =	shalt  }
0x7b: {  	_ =	shalt  }
0x7c: {  	_ =	shalt  }
0x7d: {  	_ =	shalt  }
0x7e: {  	_ =	shalt  }
0x7f: {  	_ =	shalt  }
0x80: {  	_ =	shalt  }
0x81: {  	_ =	shalt  }
0x82: {  	_ =	shalt  }
0x83: {  	_ =	shalt  }
0x84: {  	_ =	shalt  }
0x85: {  	_ =	shalt  }
0x86: {  	_ =	shalt  }
0x87: {  	_ =	shalt  }
.Lfunc_end0:
.L_simem_size_0:
called_computation_lowered:
.L_overlay_start_0:
0x88: {  	s2 =	sld [smem:$0x3FD9]  }
0x89: {  	s3 =	sld [smem:$0x3FFE];
	_ =	sdelay $0x1  }
0x8a: {  	s1 =	srdreg.scid  }
0x8b: {  	s0 =	sand.u32 $0x1, s1  }
0x8c: {  	s16 =	sshll.u32 s0, $0xA;
	s2 =	sadd.s32 s3, s2  }
0x8d: {  	s2 =	sadd.s32 s2, s16  }
0x8e: {  	[smem:$0x3FC0] =	sst s2  }
0x8f: {  	_ = 	snop  }
0x90: {  	(tm) =	ssettm $0x1  }
0x91: {  	s17 =	sld [smem:$0x3FFB];
	_ =	sdelay $0x3  }
0x92: {  	_ =	strace s17  }
0x93: {  	s2 =	sld [smem:$0x3FFC];
	_ =	sdelay $0x3  }
0x94: {  	_ =	strace s2  }
0x95: {  	s2 =	sld [smem:$0x3FFD];
	_ =	sdelay $0x3  }
0x96: {  	_ =	strace s2  }
0x97: {  	_ =	strace $0x8FFFFFFF  }
0x98: {  	s18 =	sld [smem:$0x3FDB];
	_ =	sdelay $0x1  }
0x99: {  	s19 =	simm.s32 $_scs_section_size  }
0x9a: {  	s4 =	simm.s32 $_size__tile_overlayer_lowered;
	s5 =	simm.s32 $_tile_overlayer_lowered  }
0x9b: {  	s22 =	simm.s32 $0x1BFF;
	s21 =	sshll.u32 s5, $0x1;
	s2 =	sadd.s32 s19, s18  }
0x9c: {  	s6 =	simm.s32 $0x0;
	s20 =	sshll.u32 s4, $0x1;
	s4 =	sadd.s32 s21, s2  }
0x9d: {  	[timem:s6], [sflag:s22] =	dma.local [hbm:s4], s20  }
0x9e: {  	_ =	swait.ge [sflag:s22], s20  }
0x9f: {  	s3 =	ssub.s32 $0x0, s20;
	[sflag:s22] =	ssyncset.done $0x0  }
0xa0: {  	[sflag:s22] =	ssyncadd.s32 s3;
	_ =	sdelay $0x1  }
0xa1: {  	s23 =	simm.s32 $0x1B8B  }
0xa2: {  	_ =	swait.ge [sflag:s23], $0x1  }
0xa3: {  	[sflag:s23] =	ssyncset.done $0x0  }
0xa4: {  	s25 =	simm.s32 $0x1B8E;
	s24 =	sld [smem:$0x3FFE];
	[sflag:s23] =	ssyncadd.s32 $0xFFFFFFFF  }
0xa5: {  	s26 =	simm.s32 $execute0_lowered;
	[smem:$0x3FD2] =	sst s25  }
0xa6: {  	s4 =	sshll.u32 s26, $0x1;
	_ =	strace $0x80000046;
	[dreg:$0x1] =	wrdreg $0xFFFFFFFF  }
0xa7: {  	s28 =	simm.s32 $_size_execute0_lowered;
	s2 =	sadd.s32 s2, s4;
	[dreg:$0x0] =	wrdreg $0x0  }
0xa8: {  	s4 =	sshll.u32 s28, $0x1;
	[dreg:$0x2] =	wrdreg s2  }
0xa9: {  	[dreg:$0x3] =	wrdreg s4  }
0xaa: {  	[dreg:$0x4] =	wrdreg $0xC0  }
0xab: {  	_ =	task [dreg:s6], $0x5FFFF  }
0xac: {  	[dreg:$0x1] =	wrdreg $0xFFFFFFFF  }
0xad: {  	[dreg:$0x0] =	wrdreg $0x60  }
0xae: {  	[dreg:$0x2] =	wrdreg s24  }
0xaf: {  	[dreg:$0x3] =	wrdreg $0x9  }
0xb0: {  	_ =	task.clear_ibuf [dreg:s6], $0x4FFFF;
	_ =	strace $0x90000046  }
0xb1: {  	s29 =	simm.s32 $0x9;
	_ =	strace $0x80000048  }
0xb2: {  	_ =	swait.ge [sflag:s29], $0x1  }
0xb3: {  	[sflag:s29] =	ssyncadd.s32 $0xFFFFFFFF  }
0xb4: {  	_ =	strace $0x90000048  }
0xb5: {  	_ =	sfence  }
0xb6: {  	s30 =	sld [smem:$0x0];
	_ =	sdelay $0x2  }
0xb7: {  	s31 =	sshll.u32 s1, $0xD;
	s1 =	sshrl.u32 s1, $0x2  }
0xb8: {  	s3 =	sand.u32 $0x4000, s31;
	s1 =	sadd.s32 s1, s30  }
0xb9: {  	s0 =	sor.u32 s3, s0;
	s1 =	sshll.u32 s1, $0x11  }
0xba: {  	s0 =	sor.u32 s1, s0  }
0xbb: {  	s0 =	sadd.s32 $0x8F2B, s0  }
0xbc: {  	[sflag:s0] =	ssyncadd.remote.s32 $0x1  }
0xbd: {  	_ =	sfence.sel $0xFFFF  }
0xbe: {  	[dreg:$0x0] =	wrdreg $0xFFFFFFFF;
	(pc) =	sbr.abs _section_cstart, $3  }
0xbf: {  	[dreg:$0x1] =	wrdreg $0xFFFFFFFF  }
0xc0: {  	_ =	task.clear_ibuf [dreg:s6], $0x2FFFF;
	_ =	strace $0x9FFFFFFF  }
0xc1: {  	(tm) =	ssettm $0x7FFFFFFF  }
tec
execute0_lowered:
.L_overlay_start_1:
0x0: {  	(tag) =	ssettag $0x1  }
0x1: {  	s0 =	srdreg.scid  }
0x2: {  	s8 =	sand.u32 $0x1, s0;
	s0 =	stileid.u32  }
0x3: {  	s2 =	sor.u32 s0, s8  }
0x4: {  	p0 =	sne.s32 s2, $0x0  }
.Ltmp0:
0x5: {  	_ = 	snop;
	(pc) =	sbr.rel @p0 .LBB2_7-.Ltmp0, $3  }
0x6: {  	_ =	sdelay $0x1  }
0x7: {  	s9 =	rddreg [dreg:$0x0]  }
0x8: {  	s1 =	rddreg [dreg:$0x1];
	_ =	strace $0x80000047  }
0x9: {  	v0 =	vlaneseq.u32  }
0xa: {  	vm0 =	vmmov $0x1;
	v2 =	vimm.s32 $0x0;
	vm1 =	vcmask $0x308  }
0xb: {  	vm2 =	vcmask $0x70C;
	vm3 =	vcmask $0xB10;
	s2 =	sadd.s32 $0x2A00, s9;
	v3 =	vimm.s32 $0xEDCBA987  }
0xc: {  	vm4 =	vcmask $0xF14;
	vm5 =	vcmask $0x1318;
	s3 =	sadd.s32 $0x2C00, s9;
	s4 =	sadd.s32 $0x2800, s9;
	s5 =	sadd.s32 $0x3200, s9;
	vm6 =	vcmask $0x171C  }
0xd: {  	v4 =	vimm.s32 $0x65432100;
	v5 =	vimm.s32 $0xFFEDCBA9;
	v6 =	vimm.s32 $0x87654321  }
0xe: {  	s6 =	sadd.s32 $0x3A00, s9;
	s7 =	sadd.s32 $0x2E00, s9;
	s10 =	ssub.s32 $0x2, s8;
	vm7 =	vcmask $0x1B20;
	vm8 =	vcmask $0x3F3C;
	v3 =	vunpack.c.l.s4.s8 v3  }
0xf: {  	s8 =	sadd.s32 $0x3600, s9;
	s9 =	sadd.s32 $0x3800, s9;
	s12 =	simm.s32 $0x1;
	v4 =	vunpack.c.l.s4.s8 v4;
	v5 =	vunpack.c.l.s4.s8 v5;
	v6 =	vunpack.c.l.s4.s8 v6  }
0x10: {  	s13 =	simm.s32 $0x1000;
	s14 =	simm.s32 $0x2000;
	s15 =	simm.s32 $0x2080;
	v1 =	vadd.s32 $0x1, v0;
	v7 =	vunpack.c.0.s8.s32 v3;
	v3 =	vadd.s32 $0x11, v0  }
0x11: {  	s16 =	simm.s32 $0x2100;
	s17 =	simm.s32 $0x3500;
	s18 =	simm.s32 $0x4900;
	v8 =	vunpack.c.0.s8.s32 v4;
	v9 =	vunpack.c.0.s8.s32 v5;
	v10 =	vunpack.c.0.s8.s32 v6  }
0x12: {  	s19 =	simm.s32 $0x5D00;
	s20 =	simm.s32 $0x5D80;
	s11 =	sshrl.u32 s10, $0x1;
	v4 =	vadd.s32 $0x21, v0;
	v5 =	vimm.f32 $0.0e+00;
	v7 =	vand.u32 $0xF, v7  }
0x13: {  	s21 =	simm.s32 $0x0;
	s10 =	ssub.s32 s10, s11;
	s11 =	simm.s32 $0x0;
	v6 =	vcombine.low v8, v7;
	v7 =	vor.u32 $0x80000000, v0;
	v8 =	vcombine.low v10, v9  }
.LBB2_2:
0x14: {  	[tilespmem:s11], [sflag:$0x1] =	stream.linear.gather [hbm4b:s2+s11], $0x1000, $0x38;
	[tilespmem:$0x5E00] =	vst v63  }
0x15: {  	_ =	swait.ge [sflag:s12], $0x1000  }
0x16: {  	[sflag:s12] =	ssyncset.done $0x0  }
0x17: {  	[sflag:s12] =	ssyncadd.s32 $0xFFFFF000  }
0x18: {  	[tilespmem:s13], [sflag:$0x1] =	stream.linear.gather [hbm4b:s3+s11], $0x1000, $0x38;
	[tilespmem:$0x5E00] =	vst v63  }
0x19: {  	_ =	swait.ge [sflag:s12], $0x1000  }
0x1a: {  	[sflag:s12] =	ssyncset.done $0x0  }
0x1b: {  	[sflag:s12] =	ssyncadd.s32 $0xFFFFF000  }
0x1c: {  	[tilespmem:s14], [sflag:$0x1] =	stream.linear.gather [hbm4b:s4+s11], $0x80, $0x38;
	[tilespmem:$0x5E00] =	vst v63  }
0x1d: {  	_ =	swait.ge [sflag:s12], $0x80  }
0x1e: {  	[sflag:s12] =	ssyncset.done $0x0  }
0x1f: {  	[sflag:s12] =	ssyncadd.s32 $0xFFFFFF80  }
0x20: {  	v9 =	vld [tilespmem:$0x2000];
	_ =	sdelay $0x4  }
0x21: {  	v9 =	vadd.s32 $0x7F, v9  }
0x22: {  	v9 =	vshra.s32 v9, $0x7  }
0x23: {  	(xrf0) =	vadd.scan.msk.s32 $0xffff, v9;
	_ =	sdelay $0x5  }
0x24: {  	v10, _, _ =	vpop (xrf0)  }
0x25: {  	v11 =	vnsel vm0, $0xFFFFFFFF, v10  }
0x26: {  	v12 =	vsel vm1, $0xFFFFFFFF, v10;
	v11 =	vxor.u32 $0x80000000, v11  }
0x27: {  	v36 =	vsel vm2, $0xFFFFFFFF, v10;
	(xrf0) =	vmax.scan.msk.u32 $0xffff, v11;
	v11 =	vxor.u32 $0x80000000, v12  }
0x28: {  	(xrf0) =	vmax.scan.msk.u32 $0xffff, v11;
	v11 =	vxor.u32 $0x80000000, v36  }
0x29: {  	(xrf0) =	vmax.scan.msk.u32 $0xffff, v11;
	v11 =	vsel vm3, $0xFFFFFFFF, v10  }
0x2a: {  	v37 =	vsel vm4, $0xFFFFFFFF, v10;
	v11 =	vxor.u32 $0x80000000, v11  }
0x2b: {  	v38 =	vsel vm5, $0xFFFFFFFF, v10;
	(xrf0) =	vmax.scan.msk.u32 $0xffff, v11;
	v11 =	vxor.u32 $0x80000000, v37  }
0x2c: {  	v39 =	vsel vm6, $0xFFFFFFFF, v10;
	(xrf0) =	vmax.scan.msk.u32 $0xffff, v11;
	v11 =	vxor.u32 $0x80000000, v38  }
0x2d: {  	v40 =	vsel vm7, $0xFFFFFFFF, v10;
	v13, _, _ =	vpop (xrf0);
	(xrf0) =	vmax.scan.msk.u32 $0xffff, v11;
	v11 =	vxor.u32 $0x80000000, v39  }
0x2e: {  	(v2sf) =	vpush v13, $0xF;
	v41, _, _ =	vpop (xrf0);
	(xrf0) =	vmax.scan.msk.u32 $0xffff, v11;
	v11 =	vxor.u32 $0x80000000, v40  }
0x2f: {  	(v2sf) =	vpush v41, $0xF;
	v42, _, _ =	vpop (xrf0);
	(xrf0) =	vmax.scan.msk.u32 $0xffff, v11  }
0x30: {  	(v2sf) =	vpush v42, $0xF  }
0x31: {  	v11, _, _ =	vpop (xrf0)  }
0x32: {  	v43, _, _ =	vpop (xrf0);
	(v2sf) =	vpush v11, $0xF  }
0x33: {  	v11, _, _ =	vpop (xrf0);
	(v2sf) =	vpush v43, $0xF  }
0x34: {  	v44, _, _ =	vpop (xrf0);
	(v2sf) =	vpush v11, $0xF  }
0x35: {  	(v2sf) =	vpush v44, $0xF;
	v11, _, _ =	vpop (xrf0)  }
0x36: {  	(v2sf) =	vpush v11, $0xF;
	_ =	sdelay $0x3  }
0x37: {  	v9 =	vsub.s32 v10, v9;
	v10 =	vxor.u32 $0x80000000, v10  }
0x38: {  	(xrf0) =	vmax.scan.msk.u32 $0xffff, v10;
	_ =	sdelay $0x1  }
0x39: {  	s22 =	spop (v2sf)  }
0x3a: {  	s23 =	spop (v2sf);
	s22 =	sxor.u32 $0x80000000, s22  }
0x3b: {  	s24 =	spop (v2sf);
	v11 =	vmov s22;
	s26 =	sxor.u32 $0x80000000, s23  }
0x3c: {  	v9 =	vshll.u32 v9, $0x7;
	vm9 =	vlt.s32 v11, v1;
	v45 =	vmov s26;
	s28 =	sxor.u32 $0x80000000, s24  }
0x3d: {  	v23, _, _ =	vpop (xrf0);
	s29 =	spop (v2sf);
	v46 =	vsel vm9, $0x1, v2;
	vm9 =	vlt.s32 v45, v1;
	v14 =	vmov s28  }
0x3e: {  	(v2sf) =	vpush v23, $0xF;
	s30 =	spop (v2sf);
	v15 =	vsel vm9, $0x1, v2;
	vm9 =	vlt.s32 v14, v1;
	s23 =	sxor.u32 $0x80000000, s29  }
0x3f: {  	s31 =	spop (v2sf);
	v13 =	vadd.s32 v15, v46;
	v47 =	vsel vm9, $0x1, v2;
	v16 =	vmov s23;
	s22 =	sxor.u32 $0x80000000, s30  }
0x40: {  	s25 =	spop (v2sf);
	vm9 =	vlt.s32 v16, v1;
	v17 =	vmov s22;
	s26 =	sxor.u32 $0x80000000, s31;
	v13 =	vadd.s32 v47, v13  }
0x41: {  	v18 =	vsel vm9, $0x1, v2;
	vm9 =	vlt.s32 v17, v1;
	v19 =	vmov s26;
	s28 =	sxor.u32 $0x80000000, s25;
	s29 =	spop (v2sf)  }
0x42: {  	v10 =	vsel vm9, $0x1, v2;
	vm9 =	vlt.s32 v19, v1;
	v20 =	vmov s28;
	s30 =	sxor.u32 $0x80000000, s29  }
0x43: {  	v21 =	vsel vm9, $0x1, v2;
	vm9 =	vlt.s32 v20, v1;
	v22 =	vmov s30  }
0x44: {  	v13 =	vadd.s32 v18, v13;
	v48 =	vsel vm9, $0x1, v2;
	vm9 =	vlt.s32 v22, v1  }
0x45: {  	v10 =	vadd.s32 v10, v13;
	v49 =	vsel vm9, $0x1, v2;
	vm9 =	vlt.s32 v11, v3  }
0x46: {  	v10 =	vadd.s32 v21, v10;
	v50 =	vsel vm9, $0x1, v2;
	vm9 =	vlt.s32 v45, v3  }
0x47: {  	v10 =	vadd.s32 v48, v10;
	v51 =	vsel vm9, $0x1, v2;
	vm9 =	vlt.s32 v14, v3  }
0x48: {  	v10 =	vadd.s32 v49, v10;
	v52 =	vsel vm9, $0x1, v2;
	vm9 =	vlt.s32 v16, v3  }
0x49: {  	v10 =	vmin.u32 v10, $0x7;
	v53 =	vsel vm9, $0x1, v2;
	vm9 =	vlt.s32 v17, v3  }
0x4a: {  	v13 =	vadd.s32 v51, v50;
	v54 =	vsel vm9, $0x1, v2;
	vm9 =	vlt.s32 v19, v3  }
0x4b: {  	v13 =	vadd.s32 v52, v13;
	v55 =	vsel vm9, $0x1, v2;
	vm9 =	vlt.s32 v20, v3  }
0x4c: {  	v13 =	vadd.s32 v53, v13;
	v56 =	vsel vm9, $0x1, v2;
	vm9 =	vlt.s32 v11, v4  }
0x4d: {  	v11 =	vadd.s32 v54, v13;
	v57 =	vsel vm9, $0x1, v2;
	vm9 =	vlt.s32 v45, v4  }
0x4e: {  	v11 =	vadd.s32 v55, v11;
	v12 =	vsel vm9, $0x1, v2;
	vm9 =	vlt.s32 v22, v3  }
0x4f: {  	v11 =	vadd.s32 v56, v11;
	v58 =	vsel vm9, $0x1, v2;
	vm9 =	vlt.s32 v14, v4  }
0x50: {  	v12 =	vadd.s32 v12, v57;
	v14 =	vsel vm9, $0x1, v2;
	vm9 =	vlt.s32 v16, v4  }
0x51: {  	v12 =	vadd.s32 v14, v12;
	v59 =	vsel vm9, $0x1, v2;
	vm9 =	vlt.s32 v17, v4  }
0x52: {  	v12 =	vadd.s32 v59, v12;
	v60 =	vsel vm9, $0x1, v2;
	vm9 =	vlt.s32 v19, v4  }
0x53: {  	v12 =	vadd.s32 v60, v12;
	v61 =	vsel vm9, $0x1, v2;
	vm9 =	vlt.s32 v20, v4  }
0x54: {  	v12 =	vadd.s32 v61, v12;
	v62 =	vsel vm9, $0x1, v2;
	vm9 =	vlt.s32 v22, v4  }
0x55: {  	[tilespmem:$0x2080] =	vst v9;
	v9 =	vadd.s32 v58, v11;
	v11 =	vadd.s32 v62, v12;
	v63 =	vsel vm9, $0x1, v2  }
0x56: {  	[tilespmem:$0x5D00] =	vst v10;
	s31 =	spop (v2sf);
	v9 =	vmin.u32 v9, $0x7;
	v10 =	vadd.s32 v63, v11  }
0x57: {  	s22 =	sxor.u32 $0x80000000, s31;
	[tilespmem:$0x5D10] =	vst v9;
	v9 =	vmin.u32 v10, $0x7  }
0x58: {  	s24 =	simm.s32 $0x2100;
	[tilespmem:$0x5D20] =	vst v9;
	v9 =	vmov s22  }
0x59: {  	s23 =	simm.s32 $0x3500;
	s25 =	simm.s32 $0x0;
	s22 =	simm.s32 $0x4900;
	[tilespmem:$0x5D80] =	vst v9  }
.LBB2_3:
0x5a: {  	p0 =	sne.s32 s25, $0x13F0  }
.Ltmp1:
0x5b: {  	v9 =	vor.u32 s25, v0;
	(pc) =	sbr.rel @p0 .LBB2_3-.Ltmp1, $4  }
0x5c: {  	v10 =	vand.u32 $0x7FF, v9;
	v9 =	vand.u32 $0x3FF, v9  }
0x5d: {  	[tilespmem:s24+$0x0] =	vst v10;
	v9 =	vor.u32 $0x1000, v9  }
0x5e: {  	s25 =	sadd.s32 $0x10, s25;
	[tilespmem:s23+$0x0] =	vst v9  }
0x5f: {  	s24 =	sadd.s32 $0x10, s24;
	s23 =	sadd.s32 $0x10, s23;
	[tilespmem:s22+$0x0] =	vst v5;
	s22 =	sadd.s32 $0x10, s22  }
0x60: {  	s22 =	simm.s32 $0x0  }
0x61: {  	v10 =	vld [tilespmem:s22+$0x0];
	_ =	sdelay $0x1  }
0x62: {  	s23 =	simm.s32 $0x1000  }
0x63: {  	s24 =	simm.s32 $0x10;
	s25 =	simm.s32 $0x0;
	v9 =	vld [tilespmem:s23+$0x0]  }
.LBB2_5:
0x64: {  	p0 =	sne.s32 s24, $0xFF0  }
0x65: {  	v10 =	vxor.u32 $0x80000000, v10  }
0x66: {  	(xrf1) =	vsort.ascd.msk.u32 $0xffff, v10, v0;
	_ =	sdelay $0xd  }
0x67: {  	v10, v11, _ =	vpop (xrf1)  }
0x68: {  	v10 =	vxor.u32 $0x80000000, v10  }
0x69: {  	v12 =	vperm.xlane v10, v6;
	_ =	sdelay $0x1  }
0x6a: {  	vm9 =	veq.s32 v10, v12  }
0x6b: {  	v12 =	vsel vm9, $0x80000000, v7  }
0x6c: {  	(xrf0) =	vmax.scan.msk.u32 $0xffff, v12;
	_ =	sdelay $0x1  }
0x6d: {  	v12 =	vld.idx.msk [tilespmem:v10+s15+$0x0], $0xffff;
	_ =	sdelay $0x3  }
0x6e: {  	v13, _, _ =	vpop (xrf0)  }
0x6f: {  	v13 =	vxor.u32 $0x80000000, v13  }
0x70: {  	v12 =	vsub.s32 v12, v13;
	v13 =	vperm.xlane v10, v8  }
0x71: {  	v14 =	vadd.s32 v0, v12  }
0x72: {  	vm9 =	vne.s32 v10, v13  }
0x73: {  	vm9 =	vmor vm9, vm8  }
0x74: {  	v15 =	vshll.u32 v11, $0xB;
	v13 =	vadd.s32 s22, v11;
	s22 =	smov.u32 s24  }
0x75: {  	v15 =	vand.u32 $0x800, v15;
	v13 =	vshrl.u32 v13, $0x1  }
0x76: {  	v9 =	vperm.xlane v9, v11;
	v11 =	vadd.s32 v13, v15;
	[tilespmem:v14+s16+$0x0] =	vst.idx.msk $0xffff, v13  }
0x77: {  	[tilespmem:v14+s17+$0x0] =	vst.idx.msk $0xffff, v11  }
0x78: {  	[tilespmem:v14+s18+$0x0] =	vst.idx.msk $0xffff, v9;
	v9 =	vadd.s32 v1, v12  }
.Ltmp2:
0x79: {  	s25 =	sadd.s32 $0x10, s25;
	[tilespmem:v10+s15+$0x0] =	vst.idx.msk vm9, v9;
	(pc) =	sbr.rel @p0 .LBB2_5-.Ltmp2, $3  }
0x7a: {  	s23 =	sadd.s32 $0x10, s23;
	v10 =	vld [tilespmem:s25+$0x0]  }
0x7b: {  	v9 =	vld [tilespmem:s23+$0x0];
	_ =	sdelay $0x1  }
0x7c: {  	s24 =	sadd.s32 $0x10, s24  }
0x7d: {  	_ = 	snop  }
0x7e: {  	v10 =	vxor.u32 $0x80000000, v10  }
0x7f: {  	(xrf1) =	vsort.ascd.msk.u32 $0xffff, v10, v0;
	_ =	sdelay $0xd  }
0x80: {  	v10, v11, _ =	vpop (xrf1)  }
0x81: {  	v10 =	vxor.u32 $0x80000000, v10  }
0x82: {  	v12 =	vperm.xlane v10, v6;
	_ =	sdelay $0x1  }
0x83: {  	vm9 =	veq.s32 v10, v12  }
0x84: {  	v12 =	vsel vm9, $0x80000000, v7  }
0x85: {  	(xrf0) =	vmax.scan.msk.u32 $0xffff, v12;
	_ =	sdelay $0x2  }
0x86: {  	v61 =	vld.idx.msk [tilespmem:v10+s15+$0x0], $0xffff;
	_ =	sdelay $0x2  }
0x87: {  	v13, _, _ =	vpop (xrf0)  }
0x88: {  	v13 =	vxor.u32 $0x80000000, v13  }
0x89: {  	v62 =	vperm.xlane v10, v8;
	v12 =	vsub.s32 v61, v13  }
0x8a: {  	v14 =	vadd.s32 v0, v12  }
0x8b: {  	vm9 =	vne.s32 v10, v62  }
0x8c: {  	vm9 =	vmor vm9, vm8  }
0x8d: {  	v63 =	vadd.s32 s22, v11;
	v15 =	vshll.u32 v11, $0xB  }
0x8e: {  	v15 =	vand.u32 $0x800, v15;
	v13 =	vshrl.u32 v63, $0x1  }
0x8f: {  	v9 =	vperm.xlane v9, v11;
	v11 =	vadd.s32 v13, v15;
	[tilespmem:v14+s16+$0x0] =	vst.idx.msk $0xffff, v13  }
0x90: {  	[tilespmem:v14+s17+$0x0] =	vst.idx.msk $0xffff, v11  }
0x91: {  	[tilespmem:v14+s18+$0x0] =	vst.idx.msk $0xffff, v9;
	v9 =	vadd.s32 v1, v12  }
0x92: {  	[tilespmem:v10+s15+$0x0] =	vst.idx.msk vm9, v9  }
0x93: {  	[hbm4b:s5+s11] =	stream.linear.scatter [tilespmem:s16], [sflag:$0x1], $0x1400, $0x38;
	[tilespmem:$0x5E00] =	vst v63  }
0x94: {  	_ =	swait.ge [sflag:s12], $0x1400  }
0x95: {  	[sflag:s12] =	ssyncset.done $0x0  }
0x96: {  	[sflag:s12] =	ssyncadd.s32 $0xFFFFEC00  }
0x97: {  	[hbm4b:s6+s11] =	stream.linear.scatter [tilespmem:s17], [sflag:$0x1], $0x1400, $0x38;
	[tilespmem:$0x5E00] =	vst v63  }
0x98: {  	_ =	swait.ge [sflag:s12], $0x1400  }
0x99: {  	[sflag:s12] =	ssyncset.done $0x0  }
0x9a: {  	[sflag:s12] =	ssyncadd.s32 $0xFFFFEC00  }
0x9b: {  	[hbm4b:s7+s11] =	stream.linear.scatter [tilespmem:s18], [sflag:$0x1], $0x1400, $0x38;
	[tilespmem:$0x5E00] =	vst v63  }
0x9c: {  	_ =	swait.ge [sflag:s12], $0x1400  }
0x9d: {  	[sflag:s12] =	ssyncset.done $0x0  }
0x9e: {  	[sflag:s12] =	ssyncadd.s32 $0xFFFFEC00  }
0x9f: {  	[hbm4b:s8+s11] =	stream.linear.scatter [tilespmem:s19], [sflag:$0x1], $0x80, $0x38;
	[tilespmem:$0x5E00] =	vst v63  }
0xa0: {  	s21 =	sadd.s32 $0x1, s21;
	_ =	swait.ge [sflag:s12], $0x80  }
0xa1: {  	p0 =	sne.s32 s21, s10;
	[sflag:s12] =	ssyncset.done $0x0  }
.Ltmp3:
0xa2: {  	[sflag:s12] =	ssyncadd.s32 $0xFFFFFF80;
	(pc) =	sbr.rel @p0 .LBB2_2-.Ltmp3, $4  }
0xa3: {  	[hbm4b:s9+s11] =	stream.linear.scatter [tilespmem:s20], [sflag:$0x1], $0x80, $0x38;
	[tilespmem:$0x5E00] =	vst v63  }
0xa4: {  	_ =	swait.ge [sflag:s12], $0x80  }
0xa5: {  	[sflag:s12] =	ssyncset.done $0x0  }
0xa6: {  	[sflag:s12] =	ssyncadd.s32 $0xFFFFFF80  }
.LBB2_7:
0xa7: {  	_ =	sfence.sel $0x180000  }
0xa8: {  	[bflag:$0x0] =	sbarrier.arrive $0xFFFF  }
0xa9: {  	p0 =	sne.s32 s0, $0x0;
	_ =	strace $0x90000047  }
0xaa: {  	s0 =	sadd.s32 @!p0 $0x100000, s1;
	[bflag:$0x2] =	sbarrier.arrive $0xFFFF  }
0xab: {  	[sflag:s0] =	ssyncadd.tile.s32 @!p0 $0x1;
	_ =	shalt  }
.Lfunc_end2:
_tile_overlayer_lowered:
.L_overlay_start_2:
0xac: {  	(tag) =	ssettag $0x2  }
0xad: {  	s0 =	rddreg [dreg:$0x0];
	s2 =	stileid.u32  }
0xae: {  	s1 =	rddreg [dreg:$0x1];
	p0 =	sne.s32 s2, $0x0  }
0xaf: {  	s3 =	rddreg [dreg:$0x2];
	[bflag:$0x3] =	sbarrier.arrive $0xFFFF;
	s2 =	simm.s32 @!p0 $0x1C01  }
0xb0: {  	[timem:s3], [sflag:s2] =	dma.local @!p0 [hbm:s0], s1  }
0xb1: {  	s0 =	simm.s32 @!p0 $0x1  }
0xb2: {  	_ =	swait.ge @!p0 [sflag:s0], s1  }
0xb3: {  	s1 =	ssub.s32 @!p0 $0x0, s1;
	[sflag:s0] =	ssyncset.done @!p0 $0x0  }
0xb4: {  	[sflag:s0] =	ssyncadd.s32 @!p0 s1  }
0xb5: {  	[bflag:$0x3] =	sbarrier.arrive $0xFFFF  }
0xb6: {  	_ =	shalt  }

</sc_bundles>
